<compile_context>
chip_gen: v7x
topology: tpu7x:2x2x1
jax: 0.10.2.dev20260603
libtpu: 0.0.44.dev20260713+nightly
codegen_flags: <defaults>
</compile_context>

<pallas_src>
import functools

import jax
import jax.numpy as jnp
from jax import lax
from jax.experimental import pallas as pl
from jax.experimental.pallas import tpu as pltpu
from jax.experimental.pallas import tpu_sc as plsc

S = 64
V = 100000
B = 4096
L = 200

VB = 12544
NBLK = (V + VB - 1) // VB

NW = 32
B_W = B // NW
CHUNK = 80
GRP = 2
GROWS = GRP * L
GCH = GROWS // CHUNK
NGRP = B_W // GRP
IDXR = B_W * L // CHUNK

SP = S // 2


def _prep_body(e_ref, tbl_ref, nb_ref, m_sc, s_sc):
    j = pl.program_id(0)
    x = e_ref[...]
    cols = j * VB + lax.broadcasted_iota(jnp.int32, (S, VB), 1)
    xm = jnp.where(cols < V, x, -jnp.inf)

    lo = lax.bitcast_convert_type(
        x[:SP, :].astype(jnp.bfloat16), jnp.uint16).astype(jnp.uint32)
    hi = lax.bitcast_convert_type(
        x[SP:, :].astype(jnp.bfloat16), jnp.uint16).astype(jnp.uint32)
    w = lax.bitcast_convert_type(lo | (hi << 16), jnp.int32)
    tbl_ref[...] = jnp.concatenate(
        [w.T, jnp.zeros((VB, 128 - SP), jnp.int32)], axis=1)

    @pl.when(j == 0)
    def _():
        m_sc[...] = jnp.full((S, 1), -jnp.inf, jnp.float32)
        s_sc[...] = jnp.zeros((S, 128), jnp.float32)

    m_old = m_sc[...]
    m_new = jnp.maximum(m_old, jnp.max(xm, axis=1, keepdims=True))
    ex = jnp.exp(xm - m_new)
    part = ex.reshape(S, VB // 128, 128).sum(axis=1)
    s_sc[...] = s_sc[...] * jnp.exp(m_old - m_new) + part
    m_sc[...] = m_new

    @pl.when(j == NBLK - 1)
    def _():
        lse = m_new + jnp.log(jnp.sum(s_sc[...], axis=1, keepdims=True))
        nb_ref[...] = (-float(L)) * lse


_prep = pl.pallas_call(
    _prep_body,
    grid=(NBLK,),
    in_specs=[pl.BlockSpec((S, VB), lambda j: (0, j))],
    out_specs=[
        pl.BlockSpec((VB, 128), lambda j: (j, 0)),
        pl.BlockSpec((S, 1), lambda j: (0, 0)),
    ],
    out_shape=[
        jax.ShapeDtypeStruct((V, 128), jnp.int32),
        jax.ShapeDtypeStruct((S, 1), jnp.float32),
    ],
    scratch_shapes=[
        pltpu.VMEM((S, 1), jnp.float32),
        pltpu.VMEM((S, 128), jnp.float32),
    ],
)


@functools.partial(
    pl.kernel,
    out_type=jax.ShapeDtypeStruct((NW, B_W, S), jnp.float32),
    mesh=plsc.VectorSubcoreMesh(core_axis_name="c", subcore_axis_name="s"),
    compiler_params=pltpu.CompilerParams(use_tc_tiling_on_sc=False),
    scratch_types=[
        pltpu.VMEM((IDXR, CHUNK), jnp.int32),
        pltpu.VMEM((GROWS, SP), jnp.int32),
        pltpu.VMEM((GROWS, SP), jnp.int32),
        pltpu.VMEM((B_W, S), jnp.float32),
        pltpu.VMEM((S,), jnp.float32),
        pltpu.SemaphoreType.DMA,
        pltpu.SemaphoreType.DMA,
    ],
)
def _sc_gather(tbl_hbm, sent_hbm, nb_hbm, out_hbm,
               idx_v, rows0, rows1, out_v, nb_v, sem0, sem1):
    wid = lax.axis_index("s") * 2 + lax.axis_index("c")

    pltpu.sync_copy(sent_hbm.at[wid], idx_v)
    pltpu.sync_copy(nb_hbm, nb_v)
    nb = tuple(nb_v[pl.ds(16 * k, 16)] for k in range(4))

    def issue(g, rows, sem):
        for c in range(GCH):
            pltpu.make_async_copy(
                tbl_hbm.at[idx_v.at[g * GCH + c]],
                rows.at[pl.ds(c * CHUNK, CHUNK)],
                sem,
            ).start()

    def drain(rows, sem):
        pltpu.make_async_copy(tbl_hbm.at[pl.ds(0, GROWS)], rows, sem).wait()

    def accum(g, rows):
        for k in range(GRP):
            def body(i, accs, _k=k):
                a0, a1, a2, a3 = accs
                base = _k * L + i * 8
                for u in range(8):
                    r = base + u
                    w0 = rows[r, pl.ds(0, 16)]
                    w1 = rows[r, pl.ds(16, 16)]
                    a0 = a0 + lax.bitcast_convert_type(w0 << 16, jnp.float32)
                    a1 = a1 + lax.bitcast_convert_type(w1 << 16, jnp.float32)
                    a2 = a2 + lax.bitcast_convert_type(w0, jnp.float32)
                    a3 = a3 + lax.bitcast_convert_type(w1, jnp.float32)
                return (a0, a1, a2, a3)

            accs = lax.fori_loop(0, L // 8, body, nb)
            sloc = g * GRP + k
            out_v[sloc, pl.ds(0, 16)] = accs[0]
            out_v[sloc, pl.ds(16, 16)] = accs[1]
            out_v[sloc, pl.ds(32, 16)] = accs[2]
            out_v[sloc, pl.ds(48, 16)] = accs[3]

    issue(0, rows0, sem0)

    def outer(t, carry):
        issue(2 * t + 1, rows1, sem1)
        drain(rows0, sem0)
        accum(2 * t, rows0)

        @pl.when(t < NGRP // 2 - 1)
        def _():
            issue(2 * t + 2, rows0, sem0)

        drain(rows1, sem1)
        accum(2 * t + 1, rows1)
        return carry

    lax.fori_loop(0, NGRP // 2, outer, 0)
    pltpu.sync_copy(out_v, out_hbm.at[wid])


def kernel(sentences_tensor, emission_matrix_unnormalized):
    tbl, nb = _prep(emission_matrix_unnormalized)
    tbl4 = tbl.reshape(4 * V, SP)
    sent = (sentences_tensor.astype(jnp.int32) * 4).reshape(NW, IDXR, CHUNK)
    out = _sc_gather(tbl4, sent, nb.reshape(S))
    return out.reshape(B, S)

# --- scband reference (transcript-rebuilt; emitter-appended) ---
"""Pipeline reference for scband-emission-model-4440996184886 (READ-ONLY COPY).

The authoritative reference and input builder live on the scoring server;
editing this copy changes nothing except your own understanding.
"""

import jax, jax.numpy as jnp
import numpy as np


def setup_inputs(seed: int = 0) -> dict:
    key = jax.random.key(seed)
    k1, k2 = jax.random.split(key)
    sentences_tensor = jax.random.randint(k1, (4096, 200), 0, 100000)
    emission_matrix_unnormalized = jax.random.normal(k2, (64, 100000), dtype=jnp.float32)
    return {
        "sentences_tensor": sentences_tensor,
        "emission_matrix_unnormalized": emission_matrix_unnormalized,
    }


def reference(sentences_tensor, emission_matrix_unnormalized):
    # softmax over token dim (dim=1 in torch)
    emission_matrix = jax.nn.softmax(emission_matrix_unnormalized, axis=1)
    # emission_matrix[:, sentences_tensor] -> [S, B, L]; transpose(0,1) -> [B, S, L]
    emissions = jnp.transpose(emission_matrix[:, sentences_tensor], (1, 0, 2))
    # log then sum over sequence length -> [B, S]
    return jnp.log(emissions).sum(-1)

if __name__ == "__main__":
    import jax
    _d = setup_inputs()
    print(jax.jit(kernel)(*tuple(_d.values())))

</pallas_src>

<mosaic_0001>
#map = affine_map<(d0, d1) -> (0, 0)>
#map1 = affine_map<(d0, d1) -> (0, 0, 0)>
#map2 = affine_map<(d0, d1) -> (0)>
module attributes {stable_mosaic.version = 14 : i64} {
  func.func @_sc_gather(%arg0: i32, %arg1: i32, %arg2: memref<400000x32xi32, #tpu.memory_space<hbm>>, %arg3: memref<32x320x80xi32, #tpu.memory_space<hbm>>, %arg4: memref<64xf32, #tpu.memory_space<hbm>>, %arg5: memref<32x128x64xf32, #tpu.memory_space<hbm>>, %arg6: memref<320x80xi32, #tpu.memory_space<vmem>>, %arg7: memref<400x32xi32, #tpu.memory_space<vmem>>, %arg8: memref<400x32xi32, #tpu.memory_space<vmem>>, %arg9: memref<128x64xf32, #tpu.memory_space<vmem>>, %arg10: memref<64xf32, #tpu.memory_space<vmem>>, %arg11: memref<!tpu.dma_semaphore, #tpu.memory_space<semaphore_mem>>, %arg12: memref<!tpu.dma_semaphore, #tpu.memory_space<semaphore_mem>>) attributes {dimension_semantics = [#tpu.dimension_semantics<core_parallel>, #tpu.dimension_semantics<subcore_parallel>], iteration_bounds = array<i64: 2, 16>, scalar_prefetch = 0 : i64, scratch_operands = 7 : i64, tpu.core_type = #tpu.core_type<sc_vector_subcore>, window_params = [{transform_indices = #map}, {transform_indices = #map1}, {transform_indices = #map2}, {transform_indices = #map1}]} {
    %mul3A = arith.constant 2 : i32
    %mul3A_0 = arith.muli %arg1, %mul3A : i32
    %add3A = arith.addi %mul3A_0, %arg0 : i32
    "tpu.region"() ({
      %run_scoped3A = tpu.sem_alloc : memref<!tpu.dma_semaphore, #tpu.memory_space<semaphore_mem>>
      %dma_start3A_66 = arith.constant 0 : i32
      %dma_start3A_67 = arith.constant 0 : i32
      %dma_start3A_68 = tpu.memref_slice %arg3[%add3A, %dma_start3A_66, %dma_start3A_67] : memref<32x320x80xi32, #tpu.memory_space<hbm>> -> memref<1x320x80xi32, #tpu.memory_space<hbm>>
      %dma_start3A_69 = tpu.memref_squeeze %dma_start3A_68 : memref<1x320x80xi32, #tpu.memory_space<hbm>> -> memref<320x80xi32, #tpu.memory_space<hbm>>
      %dma_start3A_70 = arith.constant 0 : i32
      %dma_start3A_71 = arith.constant 0 : i32
      %dma_start3A_72 = tpu.memref_slice %arg3[%add3A, %dma_start3A_70, %dma_start3A_71] : memref<32x320x80xi32, #tpu.memory_space<hbm>> -> memref<1x320x80xi32, #tpu.memory_space<hbm>>
      %dma_start3A_73 = tpu.memref_squeeze %dma_start3A_72 : memref<1x320x80xi32, #tpu.memory_space<hbm>> -> memref<320x80xi32, #tpu.memory_space<hbm>>
      tpu.enqueue_dma source(%dma_start3A_73 : memref<320x80xi32, #tpu.memory_space<hbm>>) target(%arg6 : memref<320x80xi32, #tpu.memory_space<vmem>>) target_semaphore(%run_scoped3A : memref<!tpu.dma_semaphore, #tpu.memory_space<semaphore_mem>>)
      %dma_wait3A = arith.constant 0 : i32
      %dma_wait3A_74 = arith.constant 0 : i32
      %dma_wait3A_75 = tpu.memref_slice %arg3[%add3A, %dma_wait3A, %dma_wait3A_74] : memref<32x320x80xi32, #tpu.memory_space<hbm>> -> memref<1x320x80xi32, #tpu.memory_space<hbm>>
      %dma_wait3A_76 = tpu.memref_squeeze %dma_wait3A_75 : memref<1x320x80xi32, #tpu.memory_space<hbm>> -> memref<320x80xi32, #tpu.memory_space<hbm>>
      %dma_wait3A_77 = arith.constant 0 : i32
      %dma_wait3A_78 = arith.constant 0 : i32
      %dma_wait3A_79 = tpu.memref_slice %arg3[%add3A, %dma_wait3A_77, %dma_wait3A_78] : memref<32x320x80xi32, #tpu.memory_space<hbm>> -> memref<1x320x80xi32, #tpu.memory_space<hbm>>
      %dma_wait3A_80 = tpu.memref_squeeze %dma_wait3A_79 : memref<1x320x80xi32, #tpu.memory_space<hbm>> -> memref<320x80xi32, #tpu.memory_space<hbm>>
      tpu.wait_dma2 semaphore(%run_scoped3A : memref<!tpu.dma_semaphore, #tpu.memory_space<semaphore_mem>>) src(%dma_wait3A_80 : memref<320x80xi32, #tpu.memory_space<hbm>>) dst(%arg6 : memref<320x80xi32, #tpu.memory_space<vmem>>)
      tpu.yield
    }) : () -> ()
    "tpu.region"() ({
      %run_scoped3A = tpu.sem_alloc : memref<!tpu.dma_semaphore, #tpu.memory_space<semaphore_mem>>
      tpu.enqueue_dma source(%arg4 : memref<64xf32, #tpu.memory_space<hbm>>) target(%arg10 : memref<64xf32, #tpu.memory_space<vmem>>) target_semaphore(%run_scoped3A : memref<!tpu.dma_semaphore, #tpu.memory_space<semaphore_mem>>)
      tpu.wait_dma2 semaphore(%run_scoped3A : memref<!tpu.dma_semaphore, #tpu.memory_space<semaphore_mem>>) src(%arg4 : memref<64xf32, #tpu.memory_space<hbm>>) dst(%arg10 : memref<64xf32, #tpu.memory_space<vmem>>)
      tpu.yield
    }) : () -> ()
    %get3A = arith.constant 0 : index
    %get3A_1 = tpu.vector_load %arg10[%get3A] {strides = array<i32>} : memref<64xf32, #tpu.memory_space<vmem>>, vector<16xf32>,
    %get3A_2 = vector.shape_cast %get3A_1 : vector<16xf32> to vector<16xf32>
    %get3A_3 = arith.constant 16 : index
    %get3A_4 = tpu.vector_load %arg10[%get3A_3] {strides = array<i32>} : memref<64xf32, #tpu.memory_space<vmem>>, vector<16xf32>,
    %get3A_5 = vector.shape_cast %get3A_4 : vector<16xf32> to vector<16xf32>
    %get3A_6 = arith.constant 32 : index
    %get3A_7 = tpu.vector_load %arg10[%get3A_6] {strides = array<i32>} : memref<64xf32, #tpu.memory_space<vmem>>, vector<16xf32>,
    %get3A_8 = vector.shape_cast %get3A_7 : vector<16xf32> to vector<16xf32>
    %get3A_9 = arith.constant 48 : index
    %get3A_10 = tpu.vector_load %arg10[%get3A_9] {strides = array<i32>} : memref<64xf32, #tpu.memory_space<vmem>>, vector<16xf32>,
    %get3A_11 = vector.shape_cast %get3A_10 : vector<16xf32> to vector<16xf32>
    %dma_start3A = arith.constant 0 : i32
    %dma_start3A_12 = arith.constant 0 : i32
    %dma_start3A_13 = arith.constant 0 : i32
    %dma_start3A_14 = tpu.memref_slice %arg7[%dma_start3A_12, %dma_start3A_13] : memref<400x32xi32, #tpu.memory_space<vmem>> -> memref<80x32xi32, #tpu.memory_space<vmem>>
    %dma_start3A_15 = arith.constant 0 : i32
    %dma_start3A_16 = tpu.memref_slice %arg6[%dma_start3A, %dma_start3A_15] : memref<320x80xi32, #tpu.memory_space<vmem>> -> memref<1x80xi32, #tpu.memory_space<vmem>>
    %dma_start3A_17 = tpu.memref_squeeze %dma_start3A_16 : memref<1x80xi32, #tpu.memory_space<vmem>> -> memref<80xi32, #tpu.memory_space<vmem>>
    %dma_start3A_18 = arith.constant 0 : i32
    %dma_start3A_19 = arith.constant 0 : i32
    %dma_start3A_20 = tpu.memref_slice %arg2[%dma_start3A_18, %dma_start3A_19] : memref<400000x32xi32, #tpu.memory_space<hbm>> -> memref<400000x32xi32, #tpu.memory_space<hbm>>
    tpu.enqueue_indirect_dma source(%dma_start3A_20 : memref<400000x32xi32, #tpu.memory_space<hbm>>) target(%dma_start3A_14 : memref<80x32xi32, #tpu.memory_space<vmem>>) offsets(%dma_start3A_17 : memref<80xi32, #tpu.memory_space<vmem>>) semaphore(%arg11 : memref<!tpu.dma_semaphore, #tpu.memory_space<semaphore_mem>>)
    %dma_start3A_21 = arith.constant 1 : i32
    %dma_start3A_22 = arith.constant 80 : i32
    %dma_start3A_23 = arith.constant 0 : i32
    %dma_start3A_24 = tpu.memref_slice %arg7[%dma_start3A_22, %dma_start3A_23] : memref<400x32xi32, #tpu.memory_space<vmem>> -> memref<80x32xi32, #tpu.memory_space<vmem>>
    %dma_start3A_25 = arith.constant 0 : i32
    %dma_start3A_26 = tpu.memref_slice %arg6[%dma_start3A_21, %dma_start3A_25] : memref<320x80xi32, #tpu.memory_space<vmem>> -> memref<1x80xi32, #tpu.memory_space<vmem>>
    %dma_start3A_27 = tpu.memref_squeeze %dma_start3A_26 : memref<1x80xi32, #tpu.memory_space<vmem>> -> memref<80xi32, #tpu.memory_space<vmem>>
    %dma_start3A_28 = arith.constant 0 : i32
    %dma_start3A_29 = arith.constant 0 : i32
    %dma_start3A_30 = tpu.memref_slice %arg2[%dma_start3A_28, %dma_start3A_29] : memref<400000x32xi32, #tpu.memory_space<hbm>> -> memref<400000x32xi32, #tpu.memory_space<hbm>>
    tpu.enqueue_indirect_dma source(%dma_start3A_30 : memref<400000x32xi32, #tpu.memory_space<hbm>>) target(%dma_start3A_24 : memref<80x32xi32, #tpu.memory_space<vmem>>) offsets(%dma_start3A_27 : memref<80xi32, #tpu.memory_space<vmem>>) semaphore(%arg11 : memref<!tpu.dma_semaphore, #tpu.memory_space<semaphore_mem>>)
    %dma_start3A_31 = arith.constant 2 : i32
    %dma_start3A_32 = arith.constant 160 : i32
    %dma_start3A_33 = arith.constant 0 : i32
    %dma_start3A_34 = tpu.memref_slice %arg7[%dma_start3A_32, %dma_start3A_33] : memref<400x32xi32, #tpu.memory_space<vmem>> -> memref<80x32xi32, #tpu.memory_space<vmem>>
    %dma_start3A_35 = arith.constant 0 : i32
    %dma_start3A_36 = tpu.memref_slice %arg6[%dma_start3A_31, %dma_start3A_35] : memref<320x80xi32, #tpu.memory_space<vmem>> -> memref<1x80xi32, #tpu.memory_space<vmem>>
    %dma_start3A_37 = tpu.memref_squeeze %dma_start3A_36 : memref<1x80xi32, #tpu.memory_space<vmem>> -> memref<80xi32, #tpu.memory_space<vmem>>
    %dma_start3A_38 = arith.constant 0 : i32
    %dma_start3A_39 = arith.constant 0 : i32
    %dma_start3A_40 = tpu.memref_slice %arg2[%dma_start3A_38, %dma_start3A_39] : memref<400000x32xi32, #tpu.memory_space<hbm>> -> memref<400000x32xi32, #tpu.memory_space<hbm>>
    tpu.enqueue_indirect_dma source(%dma_start3A_40 : memref<400000x32xi32, #tpu.memory_space<hbm>>) target(%dma_start3A_34 : memref<80x32xi32, #tpu.memory_space<vmem>>) offsets(%dma_start3A_37 : memref<80xi32, #tpu.memory_space<vmem>>) semaphore(%arg11 : memref<!tpu.dma_semaphore, #tpu.memory_space<semaphore_mem>>)
    %dma_start3A_41 = arith.constant 3 : i32
    %dma_start3A_42 = arith.constant 240 : i32
    %dma_start3A_43 = arith.constant 0 : i32
    %dma_start3A_44 = tpu.memref_slice %arg7[%dma_start3A_42, %dma_start3A_43] : memref<400x32xi32, #tpu.memory_space<vmem>> -> memref<80x32xi32, #tpu.memory_space<vmem>>
    %dma_start3A_45 = arith.constant 0 : i32
    %dma_start3A_46 = tpu.memref_slice %arg6[%dma_start3A_41, %dma_start3A_45] : memref<320x80xi32, #tpu.memory_space<vmem>> -> memref<1x80xi32, #tpu.memory_space<vmem>>
    %dma_start3A_47 = tpu.memref_squeeze %dma_start3A_46 : memref<1x80xi32, #tpu.memory_space<vmem>> -> memref<80xi32, #tpu.memory_space<vmem>>
    %dma_start3A_48 = arith.constant 0 : i32
    %dma_start3A_49 = arith.constant 0 : i32
    %dma_start3A_50 = tpu.memref_slice %arg2[%dma_start3A_48, %dma_start3A_49] : memref<400000x32xi32, #tpu.memory_space<hbm>> -> memref<400000x32xi32, #tpu.memory_space<hbm>>
    tpu.enqueue_indirect_dma source(%dma_start3A_50 : memref<400000x32xi32, #tpu.memory_space<hbm>>) target(%dma_start3A_44 : memref<80x32xi32, #tpu.memory_space<vmem>>) offsets(%dma_start3A_47 : memref<80xi32, #tpu.memory_space<vmem>>) semaphore(%arg11 : memref<!tpu.dma_semaphore, #tpu.memory_space<semaphore_mem>>)
    %dma_start3A_51 = arith.constant 4 : i32
    %dma_start3A_52 = arith.constant 320 : i32
    %dma_start3A_53 = arith.constant 0 : i32
    %dma_start3A_54 = tpu.memref_slice %arg7[%dma_start3A_52, %dma_start3A_53] : memref<400x32xi32, #tpu.memory_space<vmem>> -> memref<80x32xi32, #tpu.memory_space<vmem>>
    %dma_start3A_55 = arith.constant 0 : i32
    %dma_start3A_56 = tpu.memref_slice %arg6[%dma_start3A_51, %dma_start3A_55] : memref<320x80xi32, #tpu.memory_space<vmem>> -> memref<1x80xi32, #tpu.memory_space<vmem>>
    %dma_start3A_57 = tpu.memref_squeeze %dma_start3A_56 : memref<1x80xi32, #tpu.memory_space<vmem>> -> memref<80xi32, #tpu.memory_space<vmem>>
    %dma_start3A_58 = arith.constant 0 : i32
    %dma_start3A_59 = arith.constant 0 : i32
    %dma_start3A_60 = tpu.memref_slice %arg2[%dma_start3A_58, %dma_start3A_59] : memref<400000x32xi32, #tpu.memory_space<hbm>> -> memref<400000x32xi32, #tpu.memory_space<hbm>>
    tpu.enqueue_indirect_dma source(%dma_start3A_60 : memref<400000x32xi32, #tpu.memory_space<hbm>>) target(%dma_start3A_54 : memref<80x32xi32, #tpu.memory_space<vmem>>) offsets(%dma_start3A_57 : memref<80xi32, #tpu.memory_space<vmem>>) semaphore(%arg11 : memref<!tpu.dma_semaphore, #tpu.memory_space<semaphore_mem>>)
    %scan3A = arith.constant 0 : i32
    %scan3A_61 = arith.constant 0 : i32
    %scan3A_62 = arith.constant 32 : i32
    %scan3A_63 = arith.addi %scan3A_61, %scan3A_62 : i32
    %scan3A_64 = arith.constant 1 : i32
    scf.for %scan3A_66 = %scan3A_61 to %scan3A_63 step %scan3A_64  : i32 {
      %mul3A_67 = arith.constant 2 : i32
      %mul3A_68 = arith.muli %mul3A_67, %scan3A_66 : i32
      %add3A_69 = arith.constant 1 : i32
      %add3A_70 = arith.addi %mul3A_68, %add3A_69 : i32
      %mul3A_71 = arith.constant 5 : i32
      %mul3A_72 = arith.muli %add3A_70, %mul3A_71 : i32
      %add3A_73 = arith.constant 0 : i32
      %add3A_74 = arith.addi %mul3A_72, %add3A_73 : i32
      %dma_start3A_75 = arith.constant 0 : i32
      %dma_start3A_76 = arith.constant 0 : i32
      %dma_start3A_77 = tpu.memref_slice %arg8[%dma_start3A_75, %dma_start3A_76] : memref<400x32xi32, #tpu.memory_space<vmem>> -> memref<80x32xi32, #tpu.memory_space<vmem>>
      %dma_start3A_78 = arith.constant 0 : i32
      %dma_start3A_79 = tpu.memref_slice %arg6[%add3A_74, %dma_start3A_78] : memref<320x80xi32, #tpu.memory_space<vmem>> -> memref<1x80xi32, #tpu.memory_space<vmem>>
      %dma_start3A_80 = tpu.memref_squeeze %dma_start3A_79 : memref<1x80xi32, #tpu.memory_space<vmem>> -> memref<80xi32, #tpu.memory_space<vmem>>
      %dma_start3A_81 = arith.constant 0 : i32
      %dma_start3A_82 = arith.constant 0 : i32
      %dma_start3A_83 = tpu.memref_slice %arg2[%dma_start3A_81, %dma_start3A_82] : memref<400000x32xi32, #tpu.memory_space<hbm>> -> memref<400000x32xi32, #tpu.memory_space<hbm>>
      tpu.enqueue_indirect_dma source(%dma_start3A_83 : memref<400000x32xi32, #tpu.memory_space<hbm>>) target(%dma_start3A_77 : memref<80x32xi32, #tpu.memory_space<vmem>>) offsets(%dma_start3A_80 : memref<80xi32, #tpu.memory_space<vmem>>) semaphore(%arg12 : memref<!tpu.dma_semaphore, #tpu.memory_space<semaphore_mem>>)
      %mul3A_84 = arith.constant 5 : i32
      %mul3A_85 = arith.muli %add3A_70, %mul3A_84 : i32
      %add3A_86 = arith.constant 1 : i32
      %add3A_87 = arith.addi %mul3A_85, %add3A_86 : i32
      %dma_start3A_88 = arith.constant 80 : i32
      %dma_start3A_89 = arith.constant 0 : i32
      %dma_start3A_90 = tpu.memref_slice %arg8[%dma_start3A_88, %dma_start3A_89] : memref<400x32xi32, #tpu.memory_space<vmem>> -> memref<80x32xi32, #tpu.memory_space<vmem>>
      %dma_start3A_91 = arith.constant 0 : i32
      %dma_start3A_92 = tpu.memref_slice %arg6[%add3A_87, %dma_start3A_91] : memref<320x80xi32, #tpu.memory_space<vmem>> -> memref<1x80xi32, #tpu.memory_space<vmem>>
      %dma_start3A_93 = tpu.memref_squeeze %dma_start3A_92 : memref<1x80xi32, #tpu.memory_space<vmem>> -> memref<80xi32, #tpu.memory_space<vmem>>
      %dma_start3A_94 = arith.constant 0 : i32
      %dma_start3A_95 = arith.constant 0 : i32
      %dma_start3A_96 = tpu.memref_slice %arg2[%dma_start3A_94, %dma_start3A_95] : memref<400000x32xi32, #tpu.memory_space<hbm>> -> memref<400000x32xi32, #tpu.memory_space<hbm>>
      tpu.enqueue_indirect_dma source(%dma_start3A_96 : memref<400000x32xi32, #tpu.memory_space<hbm>>) target(%dma_start3A_90 : memref<80x32xi32, #tpu.memory_space<vmem>>) offsets(%dma_start3A_93 : memref<80xi32, #tpu.memory_space<vmem>>) semaphore(%arg12 : memref<!tpu.dma_semaphore, #tpu.memory_space<semaphore_mem>>)
      %mul3A_97 = arith.constant 5 : i32
      %mul3A_98 = arith.muli %add3A_70, %mul3A_97 : i32
      %add3A_99 = arith.constant 2 : i32
      %add3A_100 = arith.addi %mul3A_98, %add3A_99 : i32
      %dma_start3A_101 = arith.constant 160 : i32
      %dma_start3A_102 = arith.constant 0 : i32
      %dma_start3A_103 = tpu.memref_slice %arg8[%dma_start3A_101, %dma_start3A_102] : memref<400x32xi32, #tpu.memory_space<vmem>> -> memref<80x32xi32, #tpu.memory_space<vmem>>
      %dma_start3A_104 = arith.constant 0 : i32
      %dma_start3A_105 = tpu.memref_slice %arg6[%add3A_100, %dma_start3A_104] : memref<320x80xi32, #tpu.memory_space<vmem>> -> memref<1x80xi32, #tpu.memory_space<vmem>>
      %dma_start3A_106 = tpu.memref_squeeze %dma_start3A_105 : memref<1x80xi32, #tpu.memory_space<vmem>> -> memref<80xi32, #tpu.memory_space<vmem>>
      %dma_start3A_107 = arith.constant 0 : i32
      %dma_start3A_108 = arith.constant 0 : i32
      %dma_start3A_109 = tpu.memref_slice %arg2[%dma_start3A_107, %dma_start3A_108] : memref<400000x32xi32, #tpu.memory_space<hbm>> -> memref<400000x32xi32, #tpu.memory_space<hbm>>
      tpu.enqueue_indirect_dma source(%dma_start3A_109 : memref<400000x32xi32, #tpu.memory_space<hbm>>) target(%dma_start3A_103 : memref<80x32xi32, #tpu.memory_space<vmem>>) offsets(%dma_start3A_106 : memref<80xi32, #tpu.memory_space<vmem>>) semaphore(%arg12 : memref<!tpu.dma_semaphore, #tpu.memory_space<semaphore_mem>>)
      %mul3A_110 = arith.constant 5 : i32
      %mul3A_111 = arith.muli %add3A_70, %mul3A_110 : i32
      %add3A_112 = arith.constant 3 : i32
      %add3A_113 = arith.addi %mul3A_111, %add3A_112 : i32
      %dma_start3A_114 = arith.constant 240 : i32
      %dma_start3A_115 = arith.constant 0 : i32
      %dma_start3A_116 = tpu.memref_slice %arg8[%dma_start3A_114, %dma_start3A_115] : memref<400x32xi32, #tpu.memory_space<vmem>> -> memref<80x32xi32, #tpu.memory_space<vmem>>
      %dma_start3A_117 = arith.constant 0 : i32
      %dma_start3A_118 = tpu.memref_slice %arg6[%add3A_113, %dma_start3A_117] : memref<320x80xi32, #tpu.memory_space<vmem>> -> memref<1x80xi32, #tpu.memory_space<vmem>>
      %dma_start3A_119 = tpu.memref_squeeze %dma_start3A_118 : memref<1x80xi32, #tpu.memory_space<vmem>> -> memref<80xi32, #tpu.memory_space<vmem>>
      %dma_start3A_120 = arith.constant 0 : i32
      %dma_start3A_121 = arith.constant 0 : i32
      %dma_start3A_122 = tpu.memref_slice %arg2[%dma_start3A_120, %dma_start3A_121] : memref<400000x32xi32, #tpu.memory_space<hbm>> -> memref<400000x32xi32, #tpu.memory_space<hbm>>
      tpu.enqueue_indirect_dma source(%dma_start3A_122 : memref<400000x32xi32, #tpu.memory_space<hbm>>) target(%dma_start3A_116 : memref<80x32xi32, #tpu.memory_space<vmem>>) offsets(%dma_start3A_119 : memref<80xi32, #tpu.memory_space<vmem>>) semaphore(%arg12 : memref<!tpu.dma_semaphore, #tpu.memory_space<semaphore_mem>>)
      %mul3A_123 = arith.constant 5 : i32
      %mul3A_124 = arith.muli %add3A_70, %mul3A_123 : i32
      %add3A_125 = arith.constant 4 : i32
      %add3A_126 = arith.addi %mul3A_124, %add3A_125 : i32
      %dma_start3A_127 = arith.constant 320 : i32
      %dma_start3A_128 = arith.constant 0 : i32
      %dma_start3A_129 = tpu.memref_slice %arg8[%dma_start3A_127, %dma_start3A_128] : memref<400x32xi32, #tpu.memory_space<vmem>> -> memref<80x32xi32, #tpu.memory_space<vmem>>
      %dma_start3A_130 = arith.constant 0 : i32
      %dma_start3A_131 = tpu.memref_slice %arg6[%add3A_126, %dma_start3A_130] : memref<320x80xi32, #tpu.memory_space<vmem>> -> memref<1x80xi32, #tpu.memory_space<vmem>>
      %dma_start3A_132 = tpu.memref_squeeze %dma_start3A_131 : memref<1x80xi32, #tpu.memory_space<vmem>> -> memref<80xi32, #tpu.memory_space<vmem>>
      %dma_start3A_133 = arith.constant 0 : i32
      %dma_start3A_134 = arith.constant 0 : i32
      %dma_start3A_135 = tpu.memref_slice %arg2[%dma_start3A_133, %dma_start3A_134] : memref<400000x32xi32, #tpu.memory_space<hbm>> -> memref<400000x32xi32, #tpu.memory_space<hbm>>
      tpu.enqueue_indirect_dma source(%dma_start3A_135 : memref<400000x32xi32, #tpu.memory_space<hbm>>) target(%dma_start3A_129 : memref<80x32xi32, #tpu.memory_space<vmem>>) offsets(%dma_start3A_132 : memref<80xi32, #tpu.memory_space<vmem>>) semaphore(%arg12 : memref<!tpu.dma_semaphore, #tpu.memory_space<semaphore_mem>>)
      %dma_wait3A = arith.constant 0 : i32
      %dma_wait3A_136 = arith.constant 0 : i32
      %dma_wait3A_137 = tpu.memref_slice %arg2[%dma_wait3A, %dma_wait3A_136] : memref<400000x32xi32, #tpu.memory_space<hbm>> -> memref<400x32xi32, #tpu.memory_space<hbm>>
      %dma_wait3A_138 = arith.constant 0 : i32
      %dma_wait3A_139 = arith.constant 0 : i32
      %dma_wait3A_140 = tpu.memref_slice %arg2[%dma_wait3A_138, %dma_wait3A_139] : memref<400000x32xi32, #tpu.memory_space<hbm>> -> memref<400x32xi32, #tpu.memory_space<hbm>>
      tpu.wait_dma2 semaphore(%arg11 : memref<!tpu.dma_semaphore, #tpu.memory_space<semaphore_mem>>) src(%dma_wait3A_140 : memref<400x32xi32, #tpu.memory_space<hbm>>) dst(%arg7 : memref<400x32xi32, #tpu.memory_space<vmem>>)
      %mul3A_141 = arith.constant 2 : i32
      %mul3A_142 = arith.muli %mul3A_141, %scan3A_66 : i32
      %scan3A_143 = arith.constant 0 : i32
      %scan3A_144 = arith.constant 25 : i32
      %scan3A_145 = arith.addi %scan3A_143, %scan3A_144 : i32
      %scan3A_146 = arith.constant 1 : i32
      %scan3A_147:4 = scf.for %scan3A_274 = %scan3A_143 to %scan3A_145 step %scan3A_146 iter_args(%scan3A_275 = %get3A_2, %scan3A_276 = %get3A_5, %scan3A_277 = %get3A_8, %scan3A_278 = %get3A_11) -> (vector<16xf32>, vector<16xf32>, vector<16xf32>, vector<16xf32>)  : i32 {
        %mul3A_279 = arith.constant 8 : i32
        %mul3A_280 = arith.muli %scan3A_274, %mul3A_279 : i32
        %add3A_281 = arith.constant 0 : i32
        %add3A_282 = arith.addi %add3A_281, %mul3A_280 : i32
        %add3A_283 = arith.constant 0 : i32
        %add3A_284 = arith.addi %add3A_282, %add3A_283 : i32
        %get3A_285 = arith.index_cast %add3A_284 : i32 to index
        %get3A_286 = arith.constant 0 : index
        %get3A_287 = tpu.vector_load %arg7[%get3A_285, %get3A_286] {strides = array<i32>} : memref<400x32xi32, #tpu.memory_space<vmem>>, vector<1x16xi32>,
        %get3A_288 = vector.shape_cast %get3A_287 : vector<1x16xi32> to vector<16xi32>
        %get3A_289 = arith.index_cast %add3A_284 : i32 to index
        %get3A_290 = arith.constant 16 : index
        %get3A_291 = tpu.vector_load %arg7[%get3A_289, %get3A_290] {strides = array<i32>} : memref<400x32xi32, #tpu.memory_space<vmem>>, vector<1x16xi32>,
        %get3A_292 = vector.shape_cast %get3A_291 : vector<1x16xi32> to vector<16xi32>
        %shift_left3A = arith.constant 16 : i32
        %shift_left3A_293 = vector.broadcast %shift_left3A : i32 to vector<16xi32>
        %shift_left3A_294 = arith.shli %get3A_288, %shift_left3A_293 : vector<16xi32>
        %bitcast_convert_type3A = tpu.bitcast %shift_left3A_294 : vector<16xi32> -> vector<16xf32>
        %add3A_295 = arith.addf %scan3A_275, %bitcast_convert_type3A : vector<16xf32>
        %shift_left3A_296 = arith.constant 16 : i32
        %shift_left3A_297 = vector.broadcast %shift_left3A_296 : i32 to vector<16xi32>
        %shift_left3A_298 = arith.shli %get3A_292, %shift_left3A_297 : vector<16xi32>
        %bitcast_convert_type3A_299 = tpu.bitcast %shift_left3A_298 : vector<16xi32> -> vector<16xf32>
        %add3A_300 = arith.addf %scan3A_276, %bitcast_convert_type3A_299 : vector<16xf32>
        %bitcast_convert_type3A_301 = tpu.bitcast %get3A_288 : vector<16xi32> -> vector<16xf32>
        %add3A_302 = arith.addf %scan3A_277, %bitcast_convert_type3A_301 : vector<16xf32>
        %bitcast_convert_type3A_303 = tpu.bitcast %get3A_292 : vector<16xi32> -> vector<16xf32>
        %add3A_304 = arith.addf %scan3A_278, %bitcast_convert_type3A_303 : vector<16xf32>
        %add3A_305 = arith.constant 1 : i32
        %add3A_306 = arith.addi %add3A_282, %add3A_305 : i32
        %get3A_307 = arith.index_cast %add3A_306 : i32 to index
        %get3A_308 = arith.constant 0 : index
        %get3A_309 = tpu.vector_load %arg7[%get3A_307, %get3A_308] {strides = array<i32>} : memref<400x32xi32, #tpu.memory_space<vmem>>, vector<1x16xi32>,
        %get3A_310 = vector.shape_cast %get3A_309 : vector<1x16xi32> to vector<16xi32>
        %get3A_311 = arith.index_cast %add3A_306 : i32 to index
        %get3A_312 = arith.constant 16 : index
        %get3A_313 = tpu.vector_load %arg7[%get3A_311, %get3A_312] {strides = array<i32>} : memref<400x32xi32, #tpu.memory_space<vmem>>, vector<1x16xi32>,
        %get3A_314 = vector.shape_cast %get3A_313 : vector<1x16xi32> to vector<16xi32>
        %shift_left3A_315 = arith.constant 16 : i32
        %shift_left3A_316 = vector.broadcast %shift_left3A_315 : i32 to vector<16xi32>
        %shift_left3A_317 = arith.shli %get3A_310, %shift_left3A_316 : vector<16xi32>
        %bitcast_convert_type3A_318 = tpu.bitcast %shift_left3A_317 : vector<16xi32> -> vector<16xf32>
        %add3A_319 = arith.addf %add3A_295, %bitcast_convert_type3A_318 : vector<16xf32>
        %shift_left3A_320 = arith.constant 16 : i32
        %shift_left3A_321 = vector.broadcast %shift_left3A_320 : i32 to vector<16xi32>
        %shift_left3A_322 = arith.shli %get3A_314, %shift_left3A_321 : vector<16xi32>
        %bitcast_convert_type3A_323 = tpu.bitcast %shift_left3A_322 : vector<16xi32> -> vector<16xf32>
        %add3A_324 = arith.addf %add3A_300, %bitcast_convert_type3A_323 : vector<16xf32>
        %bitcast_convert_type3A_325 = tpu.bitcast %get3A_310 : vector<16xi32> -> vector<16xf32>
        %add3A_326 = arith.addf %add3A_302, %bitcast_convert_type3A_325 : vector<16xf32>
        %bitcast_convert_type3A_327 = tpu.bitcast %get3A_314 : vector<16xi32> -> vector<16xf32>
        %add3A_328 = arith.addf %add3A_304, %bitcast_convert_type3A_327 : vector<16xf32>
        %add3A_329 = arith.constant 2 : i32
        %add3A_330 = arith.addi %add3A_282, %add3A_329 : i32
        %get3A_331 = arith.index_cast %add3A_330 : i32 to index
        %get3A_332 = arith.constant 0 : index
        %get3A_333 = tpu.vector_load %arg7[%get3A_331, %get3A_332] {strides = array<i32>} : memref<400x32xi32, #tpu.memory_space<vmem>>, vector<1x16xi32>,
        %get3A_334 = vector.shape_cast %get3A_333 : vector<1x16xi32> to vector<16xi32>
        %get3A_335 = arith.index_cast %add3A_330 : i32 to index
        %get3A_336 = arith.constant 16 : index
        %get3A_337 = tpu.vector_load %arg7[%get3A_335, %get3A_336] {strides = array<i32>} : memref<400x32xi32, #tpu.memory_space<vmem>>, vector<1x16xi32>,
        %get3A_338 = vector.shape_cast %get3A_337 : vector<1x16xi32> to vector<16xi32>
        %shift_left3A_339 = arith.constant 16 : i32
        %shift_left3A_340 = vector.broadcast %shift_left3A_339 : i32 to vector<16xi32>
        %shift_left3A_341 = arith.shli %get3A_334, %shift_left3A_340 : vector<16xi32>
        %bitcast_convert_type3A_342 = tpu.bitcast %shift_left3A_341 : vector<16xi32> -> vector<16xf32>
        %add3A_343 = arith.addf %add3A_319, %bitcast_convert_type3A_342 : vector<16xf32>
        %shift_left3A_344 = arith.constant 16 : i32
        %shift_left3A_345 = vector.broadcast %shift_left3A_344 : i32 to vector<16xi32>
        %shift_left3A_346 = arith.shli %get3A_338, %shift_left3A_345 : vector<16xi32>
        %bitcast_convert_type3A_347 = tpu.bitcast %shift_left3A_346 : vector<16xi32> -> vector<16xf32>
        %add3A_348 = arith.addf %add3A_324, %bitcast_convert_type3A_347 : vector<16xf32>
        %bitcast_convert_type3A_349 = tpu.bitcast %get3A_334 : vector<16xi32> -> vector<16xf32>
        %add3A_350 = arith.addf %add3A_326, %bitcast_convert_type3A_349 : vector<16xf32>
        %bitcast_convert_type3A_351 = tpu.bitcast %get3A_338 : vector<16xi32> -> vector<16xf32>
        %add3A_352 = arith.addf %add3A_328, %bitcast_convert_type3A_351 : vector<16xf32>
        %add3A_353 = arith.constant 3 : i32
        %add3A_354 = arith.addi %add3A_282, %add3A_353 : i32
        %get3A_355 = arith.index_cast %add3A_354 : i32 to index
        %get3A_356 = arith.constant 0 : index
        %get3A_357 = tpu.vector_load %arg7[%get3A_355, %get3A_356] {strides = array<i32>} : memref<400x32xi32, #tpu.memory_space<vmem>>, vector<1x16xi32>,
        %get3A_358 = vector.shape_cast %get3A_357 : vector<1x16xi32> to vector<16xi32>
        %get3A_359 = arith.index_cast %add3A_354 : i32 to index
        %get3A_360 = arith.constant 16 : index
        %get3A_361 = tpu.vector_load %arg7[%get3A_359, %get3A_360] {strides = array<i32>} : memref<400x32xi32, #tpu.memory_space<vmem>>, vector<1x16xi32>,
        %get3A_362 = vector.shape_cast %get3A_361 : vector<1x16xi32> to vector<16xi32>
        %shift_left3A_363 = arith.constant 16 : i32
        %shift_left3A_364 = vector.broadcast %shift_left3A_363 : i32 to vector<16xi32>
        %shift_left3A_365 = arith.shli %get3A_358, %shift_left3A_364 : vector<16xi32>
        %bitcast_convert_type3A_366 = tpu.bitcast %shift_left3A_365 : vector<16xi32> -> vector<16xf32>
        %add3A_367 = arith.addf %add3A_343, %bitcast_convert_type3A_366 : vector<16xf32>
        %shift_left3A_368 = arith.constant 16 : i32
        %shift_left3A_369 = vector.broadcast %shift_left3A_368 : i32 to vector<16xi32>
        %shift_left3A_370 = arith.shli %get3A_362, %shift_left3A_369 : vector<16xi32>
        %bitcast_convert_type3A_371 = tpu.bitcast %shift_left3A_370 : vector<16xi32> -> vector<16xf32>
        %add3A_372 = arith.addf %add3A_348, %bitcast_convert_type3A_371 : vector<16xf32>
        %bitcast_convert_type3A_373 = tpu.bitcast %get3A_358 : vector<16xi32> -> vector<16xf32>
        %add3A_374 = arith.addf %add3A_350, %bitcast_convert_type3A_373 : vector<16xf32>
        %bitcast_convert_type3A_375 = tpu.bitcast %get3A_362 : vector<16xi32> -> vector<16xf32>
        %add3A_376 = arith.addf %add3A_352, %bitcast_convert_type3A_375 : vector<16xf32>
        %add3A_377 = arith.constant 4 : i32
        %add3A_378 = arith.addi %add3A_282, %add3A_377 : i32
        %get3A_379 = arith.index_cast %add3A_378 : i32 to index
        %get3A_380 = arith.constant 0 : index
        %get3A_381 = tpu.vector_load %arg7[%get3A_379, %get3A_380] {strides = array<i32>} : memref<400x32xi32, #tpu.memory_space<vmem>>, vector<1x16xi32>,
        %get3A_382 = vector.shape_cast %get3A_381 : vector<1x16xi32> to vector<16xi32>
        %get3A_383 = arith.index_cast %add3A_378 : i32 to index
        %get3A_384 = arith.constant 16 : index
        %get3A_385 = tpu.vector_load %arg7[%get3A_383, %get3A_384] {strides = array<i32>} : memref<400x32xi32, #tpu.memory_space<vmem>>, vector<1x16xi32>,
        %get3A_386 = vector.shape_cast %get3A_385 : vector<1x16xi32> to vector<16xi32>
        %shift_left3A_387 = arith.constant 16 : i32
        %shift_left3A_388 = vector.broadcast %shift_left3A_387 : i32 to vector<16xi32>
        %shift_left3A_389 = arith.shli %get3A_382, %shift_left3A_388 : vector<16xi32>
        %bitcast_convert_type3A_390 = tpu.bitcast %shift_left3A_389 : vector<16xi32> -> vector<16xf32>
        %add3A_391 = arith.addf %add3A_367, %bitcast_convert_type3A_390 : vector<16xf32>
        %shift_left3A_392 = arith.constant 16 : i32
        %shift_left3A_393 = vector.broadcast %shift_left3A_392 : i32 to vector<16xi32>
        %shift_left3A_394 = arith.shli %get3A_386, %shift_left3A_393 : vector<16xi32>
        %bitcast_convert_type3A_395 = tpu.bitcast %shift_left3A_394 : vector<16xi32> -> vector<16xf32>
        %add3A_396 = arith.addf %add3A_372, %bitcast_convert_type3A_395 : vector<16xf32>
        %bitcast_convert_type3A_397 = tpu.bitcast %get3A_382 : vector<16xi32> -> vector<16xf32>
        %add3A_398 = arith.addf %add3A_374, %bitcast_convert_type3A_397 : vector<16xf32>
        %bitcast_convert_type3A_399 = tpu.bitcast %get3A_386 : vector<16xi32> -> vector<16xf32>
        %add3A_400 = arith.addf %add3A_376, %bitcast_convert_type3A_399 : vector<16xf32>
        %add3A_401 = arith.constant 5 : i32
        %add3A_402 = arith.addi %add3A_282, %add3A_401 : i32
        %get3A_403 = arith.index_cast %add3A_402 : i32 to index
        %get3A_404 = arith.constant 0 : index
        %get3A_405 = tpu.vector_load %arg7[%get3A_403, %get3A_404] {strides = array<i32>} : memref<400x32xi32, #tpu.memory_space<vmem>>, vector<1x16xi32>,
        %get3A_406 = vector.shape_cast %get3A_405 : vector<1x16xi32> to vector<16xi32>
        %get3A_407 = arith.index_cast %add3A_402 : i32 to index
        %get3A_408 = arith.constant 16 : index
        %get3A_409 = tpu.vector_load %arg7[%get3A_407, %get3A_408] {strides = array<i32>} : memref<400x32xi32, #tpu.memory_space<vmem>>, vector<1x16xi32>,
        %get3A_410 = vector.shape_cast %get3A_409 : vector<1x16xi32> to vector<16xi32>
        %shift_left3A_411 = arith.constant 16 : i32
        %shift_left3A_412 = vector.broadcast %shift_left3A_411 : i32 to vector<16xi32>
        %shift_left3A_413 = arith.shli %get3A_406, %shift_left3A_412 : vector<16xi32>
        %bitcast_convert_type3A_414 = tpu.bitcast %shift_left3A_413 : vector<16xi32> -> vector<16xf32>
        %add3A_415 = arith.addf %add3A_391, %bitcast_convert_type3A_414 : vector<16xf32>
        %shift_left3A_416 = arith.constant 16 : i32
        %shift_left3A_417 = vector.broadcast %shift_left3A_416 : i32 to vector<16xi32>
        %shift_left3A_418 = arith.shli %get3A_410, %shift_left3A_417 : vector<16xi32>
        %bitcast_convert_type3A_419 = tpu.bitcast %shift_left3A_418 : vector<16xi32> -> vector<16xf32>
        %add3A_420 = arith.addf %add3A_396, %bitcast_convert_type3A_419 : vector<16xf32>
        %bitcast_convert_type3A_421 = tpu.bitcast %get3A_406 : vector<16xi32> -> vector<16xf32>
        %add3A_422 = arith.addf %add3A_398, %bitcast_convert_type3A_421 : vector<16xf32>
        %bitcast_convert_type3A_423 = tpu.bitcast %get3A_410 : vector<16xi32> -> vector<16xf32>
        %add3A_424 = arith.addf %add3A_400, %bitcast_convert_type3A_423 : vector<16xf32>
        %add3A_425 = arith.constant 6 : i32
        %add3A_426 = arith.addi %add3A_282, %add3A_425 : i32
        %get3A_427 = arith.index_cast %add3A_426 : i32 to index
        %get3A_428 = arith.constant 0 : index
        %get3A_429 = tpu.vector_load %arg7[%get3A_427, %get3A_428] {strides = array<i32>} : memref<400x32xi32, #tpu.memory_space<vmem>>, vector<1x16xi32>,
        %get3A_430 = vector.shape_cast %get3A_429 : vector<1x16xi32> to vector<16xi32>
        %get3A_431 = arith.index_cast %add3A_426 : i32 to index
        %get3A_432 = arith.constant 16 : index
        %get3A_433 = tpu.vector_load %arg7[%get3A_431, %get3A_432] {strides = array<i32>} : memref<400x32xi32, #tpu.memory_space<vmem>>, vector<1x16xi32>,
        %get3A_434 = vector.shape_cast %get3A_433 : vector<1x16xi32> to vector<16xi32>
        %shift_left3A_435 = arith.constant 16 : i32
        %shift_left3A_436 = vector.broadcast %shift_left3A_435 : i32 to vector<16xi32>
        %shift_left3A_437 = arith.shli %get3A_430, %shift_left3A_436 : vector<16xi32>
        %bitcast_convert_type3A_438 = tpu.bitcast %shift_left3A_437 : vector<16xi32> -> vector<16xf32>
        %add3A_439 = arith.addf %add3A_415, %bitcast_convert_type3A_438 : vector<16xf32>
        %shift_left3A_440 = arith.constant 16 : i32
        %shift_left3A_441 = vector.broadcast %shift_left3A_440 : i32 to vector<16xi32>
        %shift_left3A_442 = arith.shli %get3A_434, %shift_left3A_441 : vector<16xi32>
        %bitcast_convert_type3A_443 = tpu.bitcast %shift_left3A_442 : vector<16xi32> -> vector<16xf32>
        %add3A_444 = arith.addf %add3A_420, %bitcast_convert_type3A_443 : vector<16xf32>
        %bitcast_convert_type3A_445 = tpu.bitcast %get3A_430 : vector<16xi32> -> vector<16xf32>
        %add3A_446 = arith.addf %add3A_422, %bitcast_convert_type3A_445 : vector<16xf32>
        %bitcast_convert_type3A_447 = tpu.bitcast %get3A_434 : vector<16xi32> -> vector<16xf32>
        %add3A_448 = arith.addf %add3A_424, %bitcast_convert_type3A_447 : vector<16xf32>
        %add3A_449 = arith.constant 7 : i32
        %add3A_450 = arith.addi %add3A_282, %add3A_449 : i32
        %get3A_451 = arith.index_cast %add3A_450 : i32 to index
        %get3A_452 = arith.constant 0 : index
        %get3A_453 = tpu.vector_load %arg7[%get3A_451, %get3A_452] {strides = array<i32>} : memref<400x32xi32, #tpu.memory_space<vmem>>, vector<1x16xi32>,
        %get3A_454 = vector.shape_cast %get3A_453 : vector<1x16xi32> to vector<16xi32>
        %get3A_455 = arith.index_cast %add3A_450 : i32 to index
        %get3A_456 = arith.constant 16 : index
        %get3A_457 = tpu.vector_load %arg7[%get3A_455, %get3A_456] {strides = array<i32>} : memref<400x32xi32, #tpu.memory_space<vmem>>, vector<1x16xi32>,
        %get3A_458 = vector.shape_cast %get3A_457 : vector<1x16xi32> to vector<16xi32>
        %shift_left3A_459 = arith.constant 16 : i32
        %shift_left3A_460 = vector.broadcast %shift_left3A_459 : i32 to vector<16xi32>
        %shift_left3A_461 = arith.shli %get3A_454, %shift_left3A_460 : vector<16xi32>
        %bitcast_convert_type3A_462 = tpu.bitcast %shift_left3A_461 : vector<16xi32> -> vector<16xf32>
        %add3A_463 = arith.addf %add3A_439, %bitcast_convert_type3A_462 : vector<16xf32>
        %shift_left3A_464 = arith.constant 16 : i32
        %shift_left3A_465 = vector.broadcast %shift_left3A_464 : i32 to vector<16xi32>
        %shift_left3A_466 = arith.shli %get3A_458, %shift_left3A_465 : vector<16xi32>
        %bitcast_convert_type3A_467 = tpu.bitcast %shift_left3A_466 : vector<16xi32> -> vector<16xf32>
        %add3A_468 = arith.addf %add3A_444, %bitcast_convert_type3A_467 : vector<16xf32>
        %bitcast_convert_type3A_469 = tpu.bitcast %get3A_454 : vector<16xi32> -> vector<16xf32>
        %add3A_470 = arith.addf %add3A_446, %bitcast_convert_type3A_469 : vector<16xf32>
        %bitcast_convert_type3A_471 = tpu.bitcast %get3A_458 : vector<16xi32> -> vector<16xf32>
        %add3A_472 = arith.addf %add3A_448, %bitcast_convert_type3A_471 : vector<16xf32>
        scf.yield %add3A_463, %add3A_468, %add3A_470, %add3A_472 : vector<16xf32>, vector<16xf32>, vector<16xf32>, vector<16xf32>
      }
      %scan3A_148 = arith.constant 25 : i32
      %mul3A_149 = arith.constant 2 : i32
      %mul3A_150 = arith.muli %mul3A_142, %mul3A_149 : i32
      %add3A_151 = arith.constant 0 : i32
      %add3A_152 = arith.addi %mul3A_150, %add3A_151 : i32
      %swap3A = arith.index_cast %add3A_152 : i32 to index
      %swap3A_153 = arith.constant 0 : index
      %swap3A_154 = tpu.vector_load %arg9[%swap3A, %swap3A_153] {strides = array<i32>} : memref<128x64xf32, #tpu.memory_space<vmem>>, vector<1x16xf32>,
      %swap3A_155 = vector.shape_cast %swap3A_154 : vector<1x16xf32> to vector<16xf32>
      %swap3A_156 = vector.shape_cast %scan3A_147#0 : vector<16xf32> to vector<1x16xf32>
      tpu.vector_store %arg9[%swap3A, %swap3A_153], %swap3A_156 {strides = array<i32>} : memref<128x64xf32, #tpu.memory_space<vmem>>, vector<1x16xf32>,
      %swap3A_157 = arith.index_cast %add3A_152 : i32 to index
      %swap3A_158 = arith.constant 16 : index
      %swap3A_159 = tpu.vector_load %arg9[%swap3A_157, %swap3A_158] {strides = array<i32>} : memref<128x64xf32, #tpu.memory_space<vmem>>, vector<1x16xf32>,
      %swap3A_160 = vector.shape_cast %swap3A_159 : vector<1x16xf32> to vector<16xf32>
      %swap3A_161 = vector.shape_cast %scan3A_147#1 : vector<16xf32> to vector<1x16xf32>
      tpu.vector_store %arg9[%swap3A_157, %swap3A_158], %swap3A_161 {strides = array<i32>} : memref<128x64xf32, #tpu.memory_space<vmem>>, vector<1x16xf32>,
      %swap3A_162 = arith.index_cast %add3A_152 : i32 to index
      %swap3A_163 = arith.constant 32 : index
      %swap3A_164 = tpu.vector_load %arg9[%swap3A_162, %swap3A_163] {strides = array<i32>} : memref<128x64xf32, #tpu.memory_space<vmem>>, vector<1x16xf32>,
      %swap3A_165 = vector.shape_cast %swap3A_164 : vector<1x16xf32> to vector<16xf32>
      %swap3A_166 = vector.shape_cast %scan3A_147#2 : vector<16xf32> to vector<1x16xf32>
      tpu.vector_store %arg9[%swap3A_162, %swap3A_163], %swap3A_166 {strides = array<i32>} : memref<128x64xf32, #tpu.memory_space<vmem>>, vector<1x16xf32>,
      %swap3A_167 = arith.index_cast %add3A_152 : i32 to index
      %swap3A_168 = arith.constant 48 : index
      %swap3A_169 = tpu.vector_load %arg9[%swap3A_167, %swap3A_168] {strides = array<i32>} : memref<128x64xf32, #tpu.memory_space<vmem>>, vector<1x16xf32>,
      %swap3A_170 = vector.shape_cast %swap3A_169 : vector<1x16xf32> to vector<16xf32>
      %swap3A_171 = vector.shape_cast %scan3A_147#3 : vector<16xf32> to vector<1x16xf32>
      tpu.vector_store %arg9[%swap3A_167, %swap3A_168], %swap3A_171 {strides = array<i32>} : memref<128x64xf32, #tpu.memory_space<vmem>>, vector<1x16xf32>,
      %scan3A_172 = arith.constant 0 : i32
      %scan3A_173 = arith.constant 25 : i32
      %scan3A_174 = arith.addi %scan3A_172, %scan3A_173 : i32
      %scan3A_175 = arith.constant 1 : i32
      %scan3A_176:4 = scf.for %scan3A_274 = %scan3A_172 to %scan3A_174 step %scan3A_175 iter_args(%scan3A_275 = %get3A_2, %scan3A_276 = %get3A_5, %scan3A_277 = %get3A_8, %scan3A_278 = %get3A_11) -> (vector<16xf32>, vector<16xf32>, vector<16xf32>, vector<16xf32>)  : i32 {
        %mul3A_279 = arith.constant 8 : i32
        %mul3A_280 = arith.muli %scan3A_274, %mul3A_279 : i32
        %add3A_281 = arith.constant 200 : i32
        %add3A_282 = arith.addi %add3A_281, %mul3A_280 : i32
        %add3A_283 = arith.constant 0 : i32
        %add3A_284 = arith.addi %add3A_282, %add3A_283 : i32
        %get3A_285 = arith.index_cast %add3A_284 : i32 to index
        %get3A_286 = arith.constant 0 : index
        %get3A_287 = tpu.vector_load %arg7[%get3A_285, %get3A_286] {strides = array<i32>} : memref<400x32xi32, #tpu.memory_space<vmem>>, vector<1x16xi32>,
        %get3A_288 = vector.shape_cast %get3A_287 : vector<1x16xi32> to vector<16xi32>
        %get3A_289 = arith.index_cast %add3A_284 : i32 to index
        %get3A_290 = arith.constant 16 : index
        %get3A_291 = tpu.vector_load %arg7[%get3A_289, %get3A_290] {strides = array<i32>} : memref<400x32xi32, #tpu.memory_space<vmem>>, vector<1x16xi32>,
        %get3A_292 = vector.shape_cast %get3A_291 : vector<1x16xi32> to vector<16xi32>
        %shift_left3A = arith.constant 16 : i32
        %shift_left3A_293 = vector.broadcast %shift_left3A : i32 to vector<16xi32>
        %shift_left3A_294 = arith.shli %get3A_288, %shift_left3A_293 : vector<16xi32>
        %bitcast_convert_type3A = tpu.bitcast %shift_left3A_294 : vector<16xi32> -> vector<16xf32>
        %add3A_295 = arith.addf %scan3A_275, %bitcast_convert_type3A : vector<16xf32>
        %shift_left3A_296 = arith.constant 16 : i32
        %shift_left3A_297 = vector.broadcast %shift_left3A_296 : i32 to vector<16xi32>
        %shift_left3A_298 = arith.shli %get3A_292, %shift_left3A_297 : vector<16xi32>
        %bitcast_convert_type3A_299 = tpu.bitcast %shift_left3A_298 : vector<16xi32> -> vector<16xf32>
        %add3A_300 = arith.addf %scan3A_276, %bitcast_convert_type3A_299 : vector<16xf32>
        %bitcast_convert_type3A_301 = tpu.bitcast %get3A_288 : vector<16xi32> -> vector<16xf32>
        %add3A_302 = arith.addf %scan3A_277, %bitcast_convert_type3A_301 : vector<16xf32>
        %bitcast_convert_type3A_303 = tpu.bitcast %get3A_292 : vector<16xi32> -> vector<16xf32>
        %add3A_304 = arith.addf %scan3A_278, %bitcast_convert_type3A_303 : vector<16xf32>
        %add3A_305 = arith.constant 1 : i32
        %add3A_306 = arith.addi %add3A_282, %add3A_305 : i32
        %get3A_307 = arith.index_cast %add3A_306 : i32 to index
        %get3A_308 = arith.constant 0 : index
        %get3A_309 = tpu.vector_load %arg7[%get3A_307, %get3A_308] {strides = array<i32>} : memref<400x32xi32, #tpu.memory_space<vmem>>, vector<1x16xi32>,
        %get3A_310 = vector.shape_cast %get3A_309 : vector<1x16xi32> to vector<16xi32>
        %get3A_311 = arith.index_cast %add3A_306 : i32 to index
        %get3A_312 = arith.constant 16 : index
        %get3A_313 = tpu.vector_load %arg7[%get3A_311, %get3A_312] {strides = array<i32>} : memref<400x32xi32, #tpu.memory_space<vmem>>, vector<1x16xi32>,
        %get3A_314 = vector.shape_cast %get3A_313 : vector<1x16xi32> to vector<16xi32>
        %shift_left3A_315 = arith.constant 16 : i32
        %shift_left3A_316 = vector.broadcast %shift_left3A_315 : i32 to vector<16xi32>
        %shift_left3A_317 = arith.shli %get3A_310, %shift_left3A_316 : vector<16xi32>
        %bitcast_convert_type3A_318 = tpu.bitcast %shift_left3A_317 : vector<16xi32> -> vector<16xf32>
        %add3A_319 = arith.addf %add3A_295, %bitcast_convert_type3A_318 : vector<16xf32>
        %shift_left3A_320 = arith.constant 16 : i32
        %shift_left3A_321 = vector.broadcast %shift_left3A_320 : i32 to vector<16xi32>
        %shift_left3A_322 = arith.shli %get3A_314, %shift_left3A_321 : vector<16xi32>
        %bitcast_convert_type3A_323 = tpu.bitcast %shift_left3A_322 : vector<16xi32> -> vector<16xf32>
        %add3A_324 = arith.addf %add3A_300, %bitcast_convert_type3A_323 : vector<16xf32>
        %bitcast_convert_type3A_325 = tpu.bitcast %get3A_310 : vector<16xi32> -> vector<16xf32>
        %add3A_326 = arith.addf %add3A_302, %bitcast_convert_type3A_325 : vector<16xf32>
        %bitcast_convert_type3A_327 = tpu.bitcast %get3A_314 : vector<16xi32> -> vector<16xf32>
        %add3A_328 = arith.addf %add3A_304, %bitcast_convert_type3A_327 : vector<16xf32>
        %add3A_329 = arith.constant 2 : i32
        %add3A_330 = arith.addi %add3A_282, %add3A_329 : i32
        %get3A_331 = arith.index_cast %add3A_330 : i32 to index
        %get3A_332 = arith.constant 0 : index
        %get3A_333 = tpu.vector_load %arg7[%get3A_331, %get3A_332] {strides = array<i32>} : memref<400x32xi32, #tpu.memory_space<vmem>>, vector<1x16xi32>,
        %get3A_334 = vector.shape_cast %get3A_333 : vector<1x16xi32> to vector<16xi32>
        %get3A_335 = arith.index_cast %add3A_330 : i32 to index
        %get3A_336 = arith.constant 16 : index
        %get3A_337 = tpu.vector_load %arg7[%get3A_335, %get3A_336] {strides = array<i32>} : memref<400x32xi32, #tpu.memory_space<vmem>>, vector<1x16xi32>,
        %get3A_338 = vector.shape_cast %get3A_337 : vector<1x16xi32> to vector<16xi32>
        %shift_left3A_339 = arith.constant 16 : i32
        %shift_left3A_340 = vector.broadcast %shift_left3A_339 : i32 to vector<16xi32>
        %shift_left3A_341 = arith.shli %get3A_334, %shift_left3A_340 : vector<16xi32>
        %bitcast_convert_type3A_342 = tpu.bitcast %shift_left3A_341 : vector<16xi32> -> vector<16xf32>
        %add3A_343 = arith.addf %add3A_319, %bitcast_convert_type3A_342 : vector<16xf32>
        %shift_left3A_344 = arith.constant 16 : i32
        %shift_left3A_345 = vector.broadcast %shift_left3A_344 : i32 to vector<16xi32>
        %shift_left3A_346 = arith.shli %get3A_338, %shift_left3A_345 : vector<16xi32>
        %bitcast_convert_type3A_347 = tpu.bitcast %shift_left3A_346 : vector<16xi32> -> vector<16xf32>
        %add3A_348 = arith.addf %add3A_324, %bitcast_convert_type3A_347 : vector<16xf32>
        %bitcast_convert_type3A_349 = tpu.bitcast %get3A_334 : vector<16xi32> -> vector<16xf32>
        %add3A_350 = arith.addf %add3A_326, %bitcast_convert_type3A_349 : vector<16xf32>
        %bitcast_convert_type3A_351 = tpu.bitcast %get3A_338 : vector<16xi32> -> vector<16xf32>
        %add3A_352 = arith.addf %add3A_328, %bitcast_convert_type3A_351 : vector<16xf32>
        %add3A_353 = arith.constant 3 : i32
        %add3A_354 = arith.addi %add3A_282, %add3A_353 : i32
        %get3A_355 = arith.index_cast %add3A_354 : i32 to index
        %get3A_356 = arith.constant 0 : index
        %get3A_357 = tpu.vector_load %arg7[%get3A_355, %get3A_356] {strides = array<i32>} : memref<400x32xi32, #tpu.memory_space<vmem>>, vector<1x16xi32>,
        %get3A_358 = vector.shape_cast %get3A_357 : vector<1x16xi32> to vector<16xi32>
        %get3A_359 = arith.index_cast %add3A_354 : i32 to index
        %get3A_360 = arith.constant 16 : index
        %get3A_361 = tpu.vector_load %arg7[%get3A_359, %get3A_360] {strides = array<i32>} : memref<400x32xi32, #tpu.memory_space<vmem>>, vector<1x16xi32>,
        %get3A_362 = vector.shape_cast %get3A_361 : vector<1x16xi32> to vector<16xi32>
        %shift_left3A_363 = arith.constant 16 : i32
        %shift_left3A_364 = vector.broadcast %shift_left3A_363 : i32 to vector<16xi32>
        %shift_left3A_365 = arith.shli %get3A_358, %shift_left3A_364 : vector<16xi32>
        %bitcast_convert_type3A_366 = tpu.bitcast %shift_left3A_365 : vector<16xi32> -> vector<16xf32>
        %add3A_367 = arith.addf %add3A_343, %bitcast_convert_type3A_366 : vector<16xf32>
        %shift_left3A_368 = arith.constant 16 : i32
        %shift_left3A_369 = vector.broadcast %shift_left3A_368 : i32 to vector<16xi32>
        %shift_left3A_370 = arith.shli %get3A_362, %shift_left3A_369 : vector<16xi32>
        %bitcast_convert_type3A_371 = tpu.bitcast %shift_left3A_370 : vector<16xi32> -> vector<16xf32>
        %add3A_372 = arith.addf %add3A_348, %bitcast_convert_type3A_371 : vector<16xf32>
        %bitcast_convert_type3A_373 = tpu.bitcast %get3A_358 : vector<16xi32> -> vector<16xf32>
        %add3A_374 = arith.addf %add3A_350, %bitcast_convert_type3A_373 : vector<16xf32>
        %bitcast_convert_type3A_375 = tpu.bitcast %get3A_362 : vector<16xi32> -> vector<16xf32>
        %add3A_376 = arith.addf %add3A_352, %bitcast_convert_type3A_375 : vector<16xf32>
        %add3A_377 = arith.constant 4 : i32
        %add3A_378 = arith.addi %add3A_282, %add3A_377 : i32
        %get3A_379 = arith.index_cast %add3A_378 : i32 to index
        %get3A_380 = arith.constant 0 : index
        %get3A_381 = tpu.vector_load %arg7[%get3A_379, %get3A_380] {strides = array<i32>} : memref<400x32xi32, #tpu.memory_space<vmem>>, vector<1x16xi32>,
        %get3A_382 = vector.shape_cast %get3A_381 : vector<1x16xi32> to vector<16xi32>
        %get3A_383 = arith.index_cast %add3A_378 : i32 to index
        %get3A_384 = arith.constant 16 : index
        %get3A_385 = tpu.vector_load %arg7[%get3A_383, %get3A_384] {strides = array<i32>} : memref<400x32xi32, #tpu.memory_space<vmem>>, vector<1x16xi32>,
        %get3A_386 = vector.shape_cast %get3A_385 : vector<1x16xi32> to vector<16xi32>
        %shift_left3A_387 = arith.constant 16 : i32
        %shift_left3A_388 = vector.broadcast %shift_left3A_387 : i32 to vector<16xi32>
        %shift_left3A_389 = arith.shli %get3A_382, %shift_left3A_388 : vector<16xi32>
        %bitcast_convert_type3A_390 = tpu.bitcast %shift_left3A_389 : vector<16xi32> -> vector<16xf32>
        %add3A_391 = arith.addf %add3A_367, %bitcast_convert_type3A_390 : vector<16xf32>
        %shift_left3A_392 = arith.constant 16 : i32
        %shift_left3A_393 = vector.broadcast %shift_left3A_392 : i32 to vector<16xi32>
        %shift_left3A_394 = arith.shli %get3A_386, %shift_left3A_393 : vector<16xi32>
        %bitcast_convert_type3A_395 = tpu.bitcast %shift_left3A_394 : vector<16xi32> -> vector<16xf32>
        %add3A_396 = arith.addf %add3A_372, %bitcast_convert_type3A_395 : vector<16xf32>
        %bitcast_convert_type3A_397 = tpu.bitcast %get3A_382 : vector<16xi32> -> vector<16xf32>
        %add3A_398 = arith.addf %add3A_374, %bitcast_convert_type3A_397 : vector<16xf32>
        %bitcast_convert_type3A_399 = tpu.bitcast %get3A_386 : vector<16xi32> -> vector<16xf32>
        %add3A_400 = arith.addf %add3A_376, %bitcast_convert_type3A_399 : vector<16xf32>
        %add3A_401 = arith.constant 5 : i32
        %add3A_402 = arith.addi %add3A_282, %add3A_401 : i32
        %get3A_403 = arith.index_cast %add3A_402 : i32 to index
        %get3A_404 = arith.constant 0 : index
        %get3A_405 = tpu.vector_load %arg7[%get3A_403, %get3A_404] {strides = array<i32>} : memref<400x32xi32, #tpu.memory_space<vmem>>, vector<1x16xi32>,
        %get3A_406 = vector.shape_cast %get3A_405 : vector<1x16xi32> to vector<16xi32>
        %get3A_407 = arith.index_cast %add3A_402 : i32 to index
        %get3A_408 = arith.constant 16 : index
        %get3A_409 = tpu.vector_load %arg7[%get3A_407, %get3A_408] {strides = array<i32>} : memref<400x32xi32, #tpu.memory_space<vmem>>, vector<1x16xi32>,
        %get3A_410 = vector.shape_cast %get3A_409 : vector<1x16xi32> to vector<16xi32>
        %shift_left3A_411 = arith.constant 16 : i32
        %shift_left3A_412 = vector.broadcast %shift_left3A_411 : i32 to vector<16xi32>
        %shift_left3A_413 = arith.shli %get3A_406, %shift_left3A_412 : vector<16xi32>
        %bitcast_convert_type3A_414 = tpu.bitcast %shift_left3A_413 : vector<16xi32> -> vector<16xf32>
        %add3A_415 = arith.addf %add3A_391, %bitcast_convert_type3A_414 : vector<16xf32>
        %shift_left3A_416 = arith.constant 16 : i32
        %shift_left3A_417 = vector.broadcast %shift_left3A_416 : i32 to vector<16xi32>
        %shift_left3A_418 = arith.shli %get3A_410, %shift_left3A_417 : vector<16xi32>
        %bitcast_convert_type3A_419 = tpu.bitcast %shift_left3A_418 : vector<16xi32> -> vector<16xf32>
        %add3A_420 = arith.addf %add3A_396, %bitcast_convert_type3A_419 : vector<16xf32>
        %bitcast_convert_type3A_421 = tpu.bitcast %get3A_406 : vector<16xi32> -> vector<16xf32>
        %add3A_422 = arith.addf %add3A_398, %bitcast_convert_type3A_421 : vector<16xf32>
        %bitcast_convert_type3A_423 = tpu.bitcast %get3A_410 : vector<16xi32> -> vector<16xf32>
        %add3A_424 = arith.addf %add3A_400, %bitcast_convert_type3A_423 : vector<16xf32>
        %add3A_425 = arith.constant 6 : i32
        %add3A_426 = arith.addi %add3A_282, %add3A_425 : i32
        %get3A_427 = arith.index_cast %add3A_426 : i32 to index
        %get3A_428 = arith.constant 0 : index
        %get3A_429 = tpu.vector_load %arg7[%get3A_427, %get3A_428] {strides = array<i32>} : memref<400x32xi32, #tpu.memory_space<vmem>>, vector<1x16xi32>,
        %get3A_430 = vector.shape_cast %get3A_429 : vector<1x16xi32> to vector<16xi32>
        %get3A_431 = arith.index_cast %add3A_426 : i32 to index
        %get3A_432 = arith.constant 16 : index
        %get3A_433 = tpu.vector_load %arg7[%get3A_431, %get3A_432] {strides = array<i32>} : memref<400x32xi32, #tpu.memory_space<vmem>>, vector<1x16xi32>,
        %get3A_434 = vector.shape_cast %get3A_433 : vector<1x16xi32> to vector<16xi32>
        %shift_left3A_435 = arith.constant 16 : i32
        %shift_left3A_436 = vector.broadcast %shift_left3A_435 : i32 to vector<16xi32>
        %shift_left3A_437 = arith.shli %get3A_430, %shift_left3A_436 : vector<16xi32>
        %bitcast_convert_type3A_438 = tpu.bitcast %shift_left3A_437 : vector<16xi32> -> vector<16xf32>
        %add3A_439 = arith.addf %add3A_415, %bitcast_convert_type3A_438 : vector<16xf32>
        %shift_left3A_440 = arith.constant 16 : i32
        %shift_left3A_441 = vector.broadcast %shift_left3A_440 : i32 to vector<16xi32>
        %shift_left3A_442 = arith.shli %get3A_434, %shift_left3A_441 : vector<16xi32>
        %bitcast_convert_type3A_443 = tpu.bitcast %shift_left3A_442 : vector<16xi32> -> vector<16xf32>
        %add3A_444 = arith.addf %add3A_420, %bitcast_convert_type3A_443 : vector<16xf32>
        %bitcast_convert_type3A_445 = tpu.bitcast %get3A_430 : vector<16xi32> -> vector<16xf32>
        %add3A_446 = arith.addf %add3A_422, %bitcast_convert_type3A_445 : vector<16xf32>
        %bitcast_convert_type3A_447 = tpu.bitcast %get3A_434 : vector<16xi32> -> vector<16xf32>
        %add3A_448 = arith.addf %add3A_424, %bitcast_convert_type3A_447 : vector<16xf32>
        %add3A_449 = arith.constant 7 : i32
        %add3A_450 = arith.addi %add3A_282, %add3A_449 : i32
        %get3A_451 = arith.index_cast %add3A_450 : i32 to index
        %get3A_452 = arith.constant 0 : index
        %get3A_453 = tpu.vector_load %arg7[%get3A_451, %get3A_452] {strides = array<i32>} : memref<400x32xi32, #tpu.memory_space<vmem>>, vector<1x16xi32>,
        %get3A_454 = vector.shape_cast %get3A_453 : vector<1x16xi32> to vector<16xi32>
        %get3A_455 = arith.index_cast %add3A_450 : i32 to index
        %get3A_456 = arith.constant 16 : index
        %get3A_457 = tpu.vector_load %arg7[%get3A_455, %get3A_456] {strides = array<i32>} : memref<400x32xi32, #tpu.memory_space<vmem>>, vector<1x16xi32>,
        %get3A_458 = vector.shape_cast %get3A_457 : vector<1x16xi32> to vector<16xi32>
        %shift_left3A_459 = arith.constant 16 : i32
        %shift_left3A_460 = vector.broadcast %shift_left3A_459 : i32 to vector<16xi32>
        %shift_left3A_461 = arith.shli %get3A_454, %shift_left3A_460 : vector<16xi32>
        %bitcast_convert_type3A_462 = tpu.bitcast %shift_left3A_461 : vector<16xi32> -> vector<16xf32>
        %add3A_463 = arith.addf %add3A_439, %bitcast_convert_type3A_462 : vector<16xf32>
        %shift_left3A_464 = arith.constant 16 : i32
        %shift_left3A_465 = vector.broadcast %shift_left3A_464 : i32 to vector<16xi32>
        %shift_left3A_466 = arith.shli %get3A_458, %shift_left3A_465 : vector<16xi32>
        %bitcast_convert_type3A_467 = tpu.bitcast %shift_left3A_466 : vector<16xi32> -> vector<16xf32>
        %add3A_468 = arith.addf %add3A_444, %bitcast_convert_type3A_467 : vector<16xf32>
        %bitcast_convert_type3A_469 = tpu.bitcast %get3A_454 : vector<16xi32> -> vector<16xf32>
        %add3A_470 = arith.addf %add3A_446, %bitcast_convert_type3A_469 : vector<16xf32>
        %bitcast_convert_type3A_471 = tpu.bitcast %get3A_458 : vector<16xi32> -> vector<16xf32>
        %add3A_472 = arith.addf %add3A_448, %bitcast_convert_type3A_471 : vector<16xf32>
        scf.yield %add3A_463, %add3A_468, %add3A_470, %add3A_472 : vector<16xf32>, vector<16xf32>, vector<16xf32>, vector<16xf32>
      }
      %scan3A_177 = arith.constant 25 : i32
      %mul3A_178 = arith.constant 2 : i32
      %mul3A_179 = arith.muli %mul3A_142, %mul3A_178 : i32
      %add3A_180 = arith.constant 1 : i32
      %add3A_181 = arith.addi %mul3A_179, %add3A_180 : i32
      %swap3A_182 = arith.index_cast %add3A_181 : i32 to index
      %swap3A_183 = arith.constant 0 : index
      %swap3A_184 = tpu.vector_load %arg9[%swap3A_182, %swap3A_183] {strides = array<i32>} : memref<128x64xf32, #tpu.memory_space<vmem>>, vector<1x16xf32>,
      %swap3A_185 = vector.shape_cast %swap3A_184 : vector<1x16xf32> to vector<16xf32>
      %swap3A_186 = vector.shape_cast %scan3A_176#0 : vector<16xf32> to vector<1x16xf32>
      tpu.vector_store %arg9[%swap3A_182, %swap3A_183], %swap3A_186 {strides = array<i32>} : memref<128x64xf32, #tpu.memory_space<vmem>>, vector<1x16xf32>,
      %swap3A_187 = arith.index_cast %add3A_181 : i32 to index
      %swap3A_188 = arith.constant 16 : index
      %swap3A_189 = tpu.vector_load %arg9[%swap3A_187, %swap3A_188] {strides = array<i32>} : memref<128x64xf32, #tpu.memory_space<vmem>>, vector<1x16xf32>,
      %swap3A_190 = vector.shape_cast %swap3A_189 : vector<1x16xf32> to vector<16xf32>
      %swap3A_191 = vector.shape_cast %scan3A_176#1 : vector<16xf32> to vector<1x16xf32>
      tpu.vector_store %arg9[%swap3A_187, %swap3A_188], %swap3A_191 {strides = array<i32>} : memref<128x64xf32, #tpu.memory_space<vmem>>, vector<1x16xf32>,
      %swap3A_192 = arith.index_cast %add3A_181 : i32 to index
      %swap3A_193 = arith.constant 32 : index
      %swap3A_194 = tpu.vector_load %arg9[%swap3A_192, %swap3A_193] {strides = array<i32>} : memref<128x64xf32, #tpu.memory_space<vmem>>, vector<1x16xf32>,
      %swap3A_195 = vector.shape_cast %swap3A_194 : vector<1x16xf32> to vector<16xf32>
      %swap3A_196 = vector.shape_cast %scan3A_176#2 : vector<16xf32> to vector<1x16xf32>
      tpu.vector_store %arg9[%swap3A_192, %swap3A_193], %swap3A_196 {strides = array<i32>} : memref<128x64xf32, #tpu.memory_space<vmem>>, vector<1x16xf32>,
      %swap3A_197 = arith.index_cast %add3A_181 : i32 to index
      %swap3A_198 = arith.constant 48 : index
      %swap3A_199 = tpu.vector_load %arg9[%swap3A_197, %swap3A_198] {strides = array<i32>} : memref<128x64xf32, #tpu.memory_space<vmem>>, vector<1x16xf32>,
      %swap3A_200 = vector.shape_cast %swap3A_199 : vector<1x16xf32> to vector<16xf32>
      %swap3A_201 = vector.shape_cast %scan3A_176#3 : vector<16xf32> to vector<1x16xf32>
      tpu.vector_store %arg9[%swap3A_197, %swap3A_198], %swap3A_201 {strides = array<i32>} : memref<128x64xf32, #tpu.memory_space<vmem>>, vector<1x16xf32>,
      %lt3A = arith.constant 31 : i32
      %lt3A_202 = arith.cmpi slt, %scan3A_66, %lt3A : i32
      %convert_element_type3A = arith.extui %lt3A_202 : i1 to i32
      %cond3A = arith.constant 0 : i32
      %cond3A_203 = arith.cmpi ne, %convert_element_type3A, %cond3A : i32
      scf.if %cond3A_203 {
        %mul3A_274 = arith.constant 2 : i32
        %mul3A_275 = arith.muli %mul3A_274, %scan3A_66 : i32
        %add3A_276 = arith.constant 2 : i32
        %add3A_277 = arith.addi %mul3A_275, %add3A_276 : i32
        %mul3A_278 = arith.constant 5 : i32
        %mul3A_279 = arith.muli %add3A_277, %mul3A_278 : i32
        %add3A_280 = arith.constant 0 : i32
        %add3A_281 = arith.addi %mul3A_279, %add3A_280 : i32
        %dma_start3A_282 = arith.constant 0 : i32
        %dma_start3A_283 = arith.constant 0 : i32
        %dma_start3A_284 = tpu.memref_slice %arg7[%dma_start3A_282, %dma_start3A_283] : memref<400x32xi32, #tpu.memory_space<vmem>> -> memref<80x32xi32, #tpu.memory_space<vmem>>
        %dma_start3A_285 = arith.constant 0 : i32
        %dma_start3A_286 = tpu.memref_slice %arg6[%add3A_281, %dma_start3A_285] : memref<320x80xi32, #tpu.memory_space<vmem>> -> memref<1x80xi32, #tpu.memory_space<vmem>>
        %dma_start3A_287 = tpu.memref_squeeze %dma_start3A_286 : memref<1x80xi32, #tpu.memory_space<vmem>> -> memref<80xi32, #tpu.memory_space<vmem>>
        %dma_start3A_288 = arith.constant 0 : i32
        %dma_start3A_289 = arith.constant 0 : i32
        %dma_start3A_290 = tpu.memref_slice %arg2[%dma_start3A_288, %dma_start3A_289] : memref<400000x32xi32, #tpu.memory_space<hbm>> -> memref<400000x32xi32, #tpu.memory_space<hbm>>
        tpu.enqueue_indirect_dma source(%dma_start3A_290 : memref<400000x32xi32, #tpu.memory_space<hbm>>) target(%dma_start3A_284 : memref<80x32xi32, #tpu.memory_space<vmem>>) offsets(%dma_start3A_287 : memref<80xi32, #tpu.memory_space<vmem>>) semaphore(%arg11 : memref<!tpu.dma_semaphore, #tpu.memory_space<semaphore_mem>>)
        %mul3A_291 = arith.constant 5 : i32
        %mul3A_292 = arith.muli %add3A_277, %mul3A_291 : i32
        %add3A_293 = arith.constant 1 : i32
        %add3A_294 = arith.addi %mul3A_292, %add3A_293 : i32
        %dma_start3A_295 = arith.constant 80 : i32
        %dma_start3A_296 = arith.constant 0 : i32
        %dma_start3A_297 = tpu.memref_slice %arg7[%dma_start3A_295, %dma_start3A_296] : memref<400x32xi32, #tpu.memory_space<vmem>> -> memref<80x32xi32, #tpu.memory_space<vmem>>
        %dma_start3A_298 = arith.constant 0 : i32
        %dma_start3A_299 = tpu.memref_slice %arg6[%add3A_294, %dma_start3A_298] : memref<320x80xi32, #tpu.memory_space<vmem>> -> memref<1x80xi32, #tpu.memory_space<vmem>>
        %dma_start3A_300 = tpu.memref_squeeze %dma_start3A_299 : memref<1x80xi32, #tpu.memory_space<vmem>> -> memref<80xi32, #tpu.memory_space<vmem>>
        %dma_start3A_301 = arith.constant 0 : i32
        %dma_start3A_302 = arith.constant 0 : i32
        %dma_start3A_303 = tpu.memref_slice %arg2[%dma_start3A_301, %dma_start3A_302] : memref<400000x32xi32, #tpu.memory_space<hbm>> -> memref<400000x32xi32, #tpu.memory_space<hbm>>
        tpu.enqueue_indirect_dma source(%dma_start3A_303 : memref<400000x32xi32, #tpu.memory_space<hbm>>) target(%dma_start3A_297 : memref<80x32xi32, #tpu.memory_space<vmem>>) offsets(%dma_start3A_300 : memref<80xi32, #tpu.memory_space<vmem>>) semaphore(%arg11 : memref<!tpu.dma_semaphore, #tpu.memory_space<semaphore_mem>>)
        %mul3A_304 = arith.constant 5 : i32
        %mul3A_305 = arith.muli %add3A_277, %mul3A_304 : i32
        %add3A_306 = arith.constant 2 : i32
        %add3A_307 = arith.addi %mul3A_305, %add3A_306 : i32
        %dma_start3A_308 = arith.constant 160 : i32
        %dma_start3A_309 = arith.constant 0 : i32
        %dma_start3A_310 = tpu.memref_slice %arg7[%dma_start3A_308, %dma_start3A_309] : memref<400x32xi32, #tpu.memory_space<vmem>> -> memref<80x32xi32, #tpu.memory_space<vmem>>
        %dma_start3A_311 = arith.constant 0 : i32
        %dma_start3A_312 = tpu.memref_slice %arg6[%add3A_307, %dma_start3A_311] : memref<320x80xi32, #tpu.memory_space<vmem>> -> memref<1x80xi32, #tpu.memory_space<vmem>>
        %dma_start3A_313 = tpu.memref_squeeze %dma_start3A_312 : memref<1x80xi32, #tpu.memory_space<vmem>> -> memref<80xi32, #tpu.memory_space<vmem>>
        %dma_start3A_314 = arith.constant 0 : i32
        %dma_start3A_315 = arith.constant 0 : i32
        %dma_start3A_316 = tpu.memref_slice %arg2[%dma_start3A_314, %dma_start3A_315] : memref<400000x32xi32, #tpu.memory_space<hbm>> -> memref<400000x32xi32, #tpu.memory_space<hbm>>
        tpu.enqueue_indirect_dma source(%dma_start3A_316 : memref<400000x32xi32, #tpu.memory_space<hbm>>) target(%dma_start3A_310 : memref<80x32xi32, #tpu.memory_space<vmem>>) offsets(%dma_start3A_313 : memref<80xi32, #tpu.memory_space<vmem>>) semaphore(%arg11 : memref<!tpu.dma_semaphore, #tpu.memory_space<semaphore_mem>>)
        %mul3A_317 = arith.constant 5 : i32
        %mul3A_318 = arith.muli %add3A_277, %mul3A_317 : i32
        %add3A_319 = arith.constant 3 : i32
        %add3A_320 = arith.addi %mul3A_318, %add3A_319 : i32
        %dma_start3A_321 = arith.constant 240 : i32
        %dma_start3A_322 = arith.constant 0 : i32
        %dma_start3A_323 = tpu.memref_slice %arg7[%dma_start3A_321, %dma_start3A_322] : memref<400x32xi32, #tpu.memory_space<vmem>> -> memref<80x32xi32, #tpu.memory_space<vmem>>
        %dma_start3A_324 = arith.constant 0 : i32
        %dma_start3A_325 = tpu.memref_slice %arg6[%add3A_320, %dma_start3A_324] : memref<320x80xi32, #tpu.memory_space<vmem>> -> memref<1x80xi32, #tpu.memory_space<vmem>>
        %dma_start3A_326 = tpu.memref_squeeze %dma_start3A_325 : memref<1x80xi32, #tpu.memory_space<vmem>> -> memref<80xi32, #tpu.memory_space<vmem>>
        %dma_start3A_327 = arith.constant 0 : i32
        %dma_start3A_328 = arith.constant 0 : i32
        %dma_start3A_329 = tpu.memref_slice %arg2[%dma_start3A_327, %dma_start3A_328] : memref<400000x32xi32, #tpu.memory_space<hbm>> -> memref<400000x32xi32, #tpu.memory_space<hbm>>
        tpu.enqueue_indirect_dma source(%dma_start3A_329 : memref<400000x32xi32, #tpu.memory_space<hbm>>) target(%dma_start3A_323 : memref<80x32xi32, #tpu.memory_space<vmem>>) offsets(%dma_start3A_326 : memref<80xi32, #tpu.memory_space<vmem>>) semaphore(%arg11 : memref<!tpu.dma_semaphore, #tpu.memory_space<semaphore_mem>>)
        %mul3A_330 = arith.constant 5 : i32
        %mul3A_331 = arith.muli %add3A_277, %mul3A_330 : i32
        %add3A_332 = arith.constant 4 : i32
        %add3A_333 = arith.addi %mul3A_331, %add3A_332 : i32
        %dma_start3A_334 = arith.constant 320 : i32
        %dma_start3A_335 = arith.constant 0 : i32
        %dma_start3A_336 = tpu.memref_slice %arg7[%dma_start3A_334, %dma_start3A_335] : memref<400x32xi32, #tpu.memory_space<vmem>> -> memref<80x32xi32, #tpu.memory_space<vmem>>
        %dma_start3A_337 = arith.constant 0 : i32
        %dma_start3A_338 = tpu.memref_slice %arg6[%add3A_333, %dma_start3A_337] : memref<320x80xi32, #tpu.memory_space<vmem>> -> memref<1x80xi32, #tpu.memory_space<vmem>>
        %dma_start3A_339 = tpu.memref_squeeze %dma_start3A_338 : memref<1x80xi32, #tpu.memory_space<vmem>> -> memref<80xi32, #tpu.memory_space<vmem>>
        %dma_start3A_340 = arith.constant 0 : i32
        %dma_start3A_341 = arith.constant 0 : i32
        %dma_start3A_342 = tpu.memref_slice %arg2[%dma_start3A_340, %dma_start3A_341] : memref<400000x32xi32, #tpu.memory_space<hbm>> -> memref<400000x32xi32, #tpu.memory_space<hbm>>
        tpu.enqueue_indirect_dma source(%dma_start3A_342 : memref<400000x32xi32, #tpu.memory_space<hbm>>) target(%dma_start3A_336 : memref<80x32xi32, #tpu.memory_space<vmem>>) offsets(%dma_start3A_339 : memref<80xi32, #tpu.memory_space<vmem>>) semaphore(%arg11 : memref<!tpu.dma_semaphore, #tpu.memory_space<semaphore_mem>>)
      } else {
      }
      %dma_wait3A_204 = arith.constant 0 : i32
      %dma_wait3A_205 = arith.constant 0 : i32
      %dma_wait3A_206 = tpu.memref_slice %arg2[%dma_wait3A_204, %dma_wait3A_205] : memref<400000x32xi32, #tpu.memory_space<hbm>> -> memref<400x32xi32, #tpu.memory_space<hbm>>
      %dma_wait3A_207 = arith.constant 0 : i32
      %dma_wait3A_208 = arith.constant 0 : i32
      %dma_wait3A_209 = tpu.memref_slice %arg2[%dma_wait3A_207, %dma_wait3A_208] : memref<400000x32xi32, #tpu.memory_space<hbm>> -> memref<400x32xi32, #tpu.memory_space<hbm>>
      tpu.wait_dma2 semaphore(%arg12 : memref<!tpu.dma_semaphore, #tpu.memory_space<semaphore_mem>>) src(%dma_wait3A_209 : memref<400x32xi32, #tpu.memory_space<hbm>>) dst(%arg8 : memref<400x32xi32, #tpu.memory_space<vmem>>)
      %mul3A_210 = arith.constant 2 : i32
      %mul3A_211 = arith.muli %mul3A_210, %scan3A_66 : i32
      %add3A_212 = arith.constant 1 : i32
      %add3A_213 = arith.addi %mul3A_211, %add3A_212 : i32
      %scan3A_214 = arith.constant 0 : i32
      %scan3A_215 = arith.constant 25 : i32
      %scan3A_216 = arith.addi %scan3A_214, %scan3A_215 : i32
      %scan3A_217 = arith.constant 1 : i32
      %scan3A_218:4 = scf.for %scan3A_274 = %scan3A_214 to %scan3A_216 step %scan3A_217 iter_args(%scan3A_275 = %get3A_2, %scan3A_276 = %get3A_5, %scan3A_277 = %get3A_8, %scan3A_278 = %get3A_11) -> (vector<16xf32>, vector<16xf32>, vector<16xf32>, vector<16xf32>)  : i32 {
        %mul3A_279 = arith.constant 8 : i32
        %mul3A_280 = arith.muli %scan3A_274, %mul3A_279 : i32
        %add3A_281 = arith.constant 0 : i32
        %add3A_282 = arith.addi %add3A_281, %mul3A_280 : i32
        %add3A_283 = arith.constant 0 : i32
        %add3A_284 = arith.addi %add3A_282, %add3A_283 : i32
        %get3A_285 = arith.index_cast %add3A_284 : i32 to index
        %get3A_286 = arith.constant 0 : index
        %get3A_287 = tpu.vector_load %arg8[%get3A_285, %get3A_286] {strides = array<i32>} : memref<400x32xi32, #tpu.memory_space<vmem>>, vector<1x16xi32>,
        %get3A_288 = vector.shape_cast %get3A_287 : vector<1x16xi32> to vector<16xi32>
        %get3A_289 = arith.index_cast %add3A_284 : i32 to index
        %get3A_290 = arith.constant 16 : index
        %get3A_291 = tpu.vector_load %arg8[%get3A_289, %get3A_290] {strides = array<i32>} : memref<400x32xi32, #tpu.memory_space<vmem>>, vector<1x16xi32>,
        %get3A_292 = vector.shape_cast %get3A_291 : vector<1x16xi32> to vector<16xi32>
        %shift_left3A = arith.constant 16 : i32
        %shift_left3A_293 = vector.broadcast %shift_left3A : i32 to vector<16xi32>
        %shift_left3A_294 = arith.shli %get3A_288, %shift_left3A_293 : vector<16xi32>
        %bitcast_convert_type3A = tpu.bitcast %shift_left3A_294 : vector<16xi32> -> vector<16xf32>
        %add3A_295 = arith.addf %scan3A_275, %bitcast_convert_type3A : vector<16xf32>
        %shift_left3A_296 = arith.constant 16 : i32
        %shift_left3A_297 = vector.broadcast %shift_left3A_296 : i32 to vector<16xi32>
        %shift_left3A_298 = arith.shli %get3A_292, %shift_left3A_297 : vector<16xi32>
        %bitcast_convert_type3A_299 = tpu.bitcast %shift_left3A_298 : vector<16xi32> -> vector<16xf32>
        %add3A_300 = arith.addf %scan3A_276, %bitcast_convert_type3A_299 : vector<16xf32>
        %bitcast_convert_type3A_301 = tpu.bitcast %get3A_288 : vector<16xi32> -> vector<16xf32>
        %add3A_302 = arith.addf %scan3A_277, %bitcast_convert_type3A_301 : vector<16xf32>
        %bitcast_convert_type3A_303 = tpu.bitcast %get3A_292 : vector<16xi32> -> vector<16xf32>
        %add3A_304 = arith.addf %scan3A_278, %bitcast_convert_type3A_303 : vector<16xf32>
        %add3A_305 = arith.constant 1 : i32
        %add3A_306 = arith.addi %add3A_282, %add3A_305 : i32
        %get3A_307 = arith.index_cast %add3A_306 : i32 to index
        %get3A_308 = arith.constant 0 : index
        %get3A_309 = tpu.vector_load %arg8[%get3A_307, %get3A_308] {strides = array<i32>} : memref<400x32xi32, #tpu.memory_space<vmem>>, vector<1x16xi32>,
        %get3A_310 = vector.shape_cast %get3A_309 : vector<1x16xi32> to vector<16xi32>
        %get3A_311 = arith.index_cast %add3A_306 : i32 to index
        %get3A_312 = arith.constant 16 : index
        %get3A_313 = tpu.vector_load %arg8[%get3A_311, %get3A_312] {strides = array<i32>} : memref<400x32xi32, #tpu.memory_space<vmem>>, vector<1x16xi32>,
        %get3A_314 = vector.shape_cast %get3A_313 : vector<1x16xi32> to vector<16xi32>
        %shift_left3A_315 = arith.constant 16 : i32
        %shift_left3A_316 = vector.broadcast %shift_left3A_315 : i32 to vector<16xi32>
        %shift_left3A_317 = arith.shli %get3A_310, %shift_left3A_316 : vector<16xi32>
        %bitcast_convert_type3A_318 = tpu.bitcast %shift_left3A_317 : vector<16xi32> -> vector<16xf32>
        %add3A_319 = arith.addf %add3A_295, %bitcast_convert_type3A_318 : vector<16xf32>
        %shift_left3A_320 = arith.constant 16 : i32
        %shift_left3A_321 = vector.broadcast %shift_left3A_320 : i32 to vector<16xi32>
        %shift_left3A_322 = arith.shli %get3A_314, %shift_left3A_321 : vector<16xi32>
        %bitcast_convert_type3A_323 = tpu.bitcast %shift_left3A_322 : vector<16xi32> -> vector<16xf32>
        %add3A_324 = arith.addf %add3A_300, %bitcast_convert_type3A_323 : vector<16xf32>
        %bitcast_convert_type3A_325 = tpu.bitcast %get3A_310 : vector<16xi32> -> vector<16xf32>
        %add3A_326 = arith.addf %add3A_302, %bitcast_convert_type3A_325 : vector<16xf32>
        %bitcast_convert_type3A_327 = tpu.bitcast %get3A_314 : vector<16xi32> -> vector<16xf32>
        %add3A_328 = arith.addf %add3A_304, %bitcast_convert_type3A_327 : vector<16xf32>
        %add3A_329 = arith.constant 2 : i32
        %add3A_330 = arith.addi %add3A_282, %add3A_329 : i32
        %get3A_331 = arith.index_cast %add3A_330 : i32 to index
        %get3A_332 = arith.constant 0 : index
        %get3A_333 = tpu.vector_load %arg8[%get3A_331, %get3A_332] {strides = array<i32>} : memref<400x32xi32, #tpu.memory_space<vmem>>, vector<1x16xi32>,
        %get3A_334 = vector.shape_cast %get3A_333 : vector<1x16xi32> to vector<16xi32>
        %get3A_335 = arith.index_cast %add3A_330 : i32 to index
        %get3A_336 = arith.constant 16 : index
        %get3A_337 = tpu.vector_load %arg8[%get3A_335, %get3A_336] {strides = array<i32>} : memref<400x32xi32, #tpu.memory_space<vmem>>, vector<1x16xi32>,
        %get3A_338 = vector.shape_cast %get3A_337 : vector<1x16xi32> to vector<16xi32>
        %shift_left3A_339 = arith.constant 16 : i32
        %shift_left3A_340 = vector.broadcast %shift_left3A_339 : i32 to vector<16xi32>
        %shift_left3A_341 = arith.shli %get3A_334, %shift_left3A_340 : vector<16xi32>
        %bitcast_convert_type3A_342 = tpu.bitcast %shift_left3A_341 : vector<16xi32> -> vector<16xf32>
        %add3A_343 = arith.addf %add3A_319, %bitcast_convert_type3A_342 : vector<16xf32>
        %shift_left3A_344 = arith.constant 16 : i32
        %shift_left3A_345 = vector.broadcast %shift_left3A_344 : i32 to vector<16xi32>
        %shift_left3A_346 = arith.shli %get3A_338, %shift_left3A_345 : vector<16xi32>
        %bitcast_convert_type3A_347 = tpu.bitcast %shift_left3A_346 : vector<16xi32> -> vector<16xf32>
        %add3A_348 = arith.addf %add3A_324, %bitcast_convert_type3A_347 : vector<16xf32>
        %bitcast_convert_type3A_349 = tpu.bitcast %get3A_334 : vector<16xi32> -> vector<16xf32>
        %add3A_350 = arith.addf %add3A_326, %bitcast_convert_type3A_349 : vector<16xf32>
        %bitcast_convert_type3A_351 = tpu.bitcast %get3A_338 : vector<16xi32> -> vector<16xf32>
        %add3A_352 = arith.addf %add3A_328, %bitcast_convert_type3A_351 : vector<16xf32>
        %add3A_353 = arith.constant 3 : i32
        %add3A_354 = arith.addi %add3A_282, %add3A_353 : i32
        %get3A_355 = arith.index_cast %add3A_354 : i32 to index
        %get3A_356 = arith.constant 0 : index
        %get3A_357 = tpu.vector_load %arg8[%get3A_355, %get3A_356] {strides = array<i32>} : memref<400x32xi32, #tpu.memory_space<vmem>>, vector<1x16xi32>,
        %get3A_358 = vector.shape_cast %get3A_357 : vector<1x16xi32> to vector<16xi32>
        %get3A_359 = arith.index_cast %add3A_354 : i32 to index
        %get3A_360 = arith.constant 16 : index
        %get3A_361 = tpu.vector_load %arg8[%get3A_359, %get3A_360] {strides = array<i32>} : memref<400x32xi32, #tpu.memory_space<vmem>>, vector<1x16xi32>,
        %get3A_362 = vector.shape_cast %get3A_361 : vector<1x16xi32> to vector<16xi32>
        %shift_left3A_363 = arith.constant 16 : i32
        %shift_left3A_364 = vector.broadcast %shift_left3A_363 : i32 to vector<16xi32>
        %shift_left3A_365 = arith.shli %get3A_358, %shift_left3A_364 : vector<16xi32>
        %bitcast_convert_type3A_366 = tpu.bitcast %shift_left3A_365 : vector<16xi32> -> vector<16xf32>
        %add3A_367 = arith.addf %add3A_343, %bitcast_convert_type3A_366 : vector<16xf32>
        %shift_left3A_368 = arith.constant 16 : i32
        %shift_left3A_369 = vector.broadcast %shift_left3A_368 : i32 to vector<16xi32>
        %shift_left3A_370 = arith.shli %get3A_362, %shift_left3A_369 : vector<16xi32>
        %bitcast_convert_type3A_371 = tpu.bitcast %shift_left3A_370 : vector<16xi32> -> vector<16xf32>
        %add3A_372 = arith.addf %add3A_348, %bitcast_convert_type3A_371 : vector<16xf32>
        %bitcast_convert_type3A_373 = tpu.bitcast %get3A_358 : vector<16xi32> -> vector<16xf32>
        %add3A_374 = arith.addf %add3A_350, %bitcast_convert_type3A_373 : vector<16xf32>
        %bitcast_convert_type3A_375 = tpu.bitcast %get3A_362 : vector<16xi32> -> vector<16xf32>
        %add3A_376 = arith.addf %add3A_352, %bitcast_convert_type3A_375 : vector<16xf32>
        %add3A_377 = arith.constant 4 : i32
        %add3A_378 = arith.addi %add3A_282, %add3A_377 : i32
        %get3A_379 = arith.index_cast %add3A_378 : i32 to index
        %get3A_380 = arith.constant 0 : index
        %get3A_381 = tpu.vector_load %arg8[%get3A_379, %get3A_380] {strides = array<i32>} : memref<400x32xi32, #tpu.memory_space<vmem>>, vector<1x16xi32>,
        %get3A_382 = vector.shape_cast %get3A_381 : vector<1x16xi32> to vector<16xi32>
        %get3A_383 = arith.index_cast %add3A_378 : i32 to index
        %get3A_384 = arith.constant 16 : index
        %get3A_385 = tpu.vector_load %arg8[%get3A_383, %get3A_384] {strides = array<i32>} : memref<400x32xi32, #tpu.memory_space<vmem>>, vector<1x16xi32>,
        %get3A_386 = vector.shape_cast %get3A_385 : vector<1x16xi32> to vector<16xi32>
        %shift_left3A_387 = arith.constant 16 : i32
        %shift_left3A_388 = vector.broadcast %shift_left3A_387 : i32 to vector<16xi32>
        %shift_left3A_389 = arith.shli %get3A_382, %shift_left3A_388 : vector<16xi32>
        %bitcast_convert_type3A_390 = tpu.bitcast %shift_left3A_389 : vector<16xi32> -> vector<16xf32>
        %add3A_391 = arith.addf %add3A_367, %bitcast_convert_type3A_390 : vector<16xf32>
        %shift_left3A_392 = arith.constant 16 : i32
        %shift_left3A_393 = vector.broadcast %shift_left3A_392 : i32 to vector<16xi32>
        %shift_left3A_394 = arith.shli %get3A_386, %shift_left3A_393 : vector<16xi32>
        %bitcast_convert_type3A_395 = tpu.bitcast %shift_left3A_394 : vector<16xi32> -> vector<16xf32>
        %add3A_396 = arith.addf %add3A_372, %bitcast_convert_type3A_395 : vector<16xf32>
        %bitcast_convert_type3A_397 = tpu.bitcast %get3A_382 : vector<16xi32> -> vector<16xf32>
        %add3A_398 = arith.addf %add3A_374, %bitcast_convert_type3A_397 : vector<16xf32>
        %bitcast_convert_type3A_399 = tpu.bitcast %get3A_386 : vector<16xi32> -> vector<16xf32>
        %add3A_400 = arith.addf %add3A_376, %bitcast_convert_type3A_399 : vector<16xf32>
        %add3A_401 = arith.constant 5 : i32
        %add3A_402 = arith.addi %add3A_282, %add3A_401 : i32
        %get3A_403 = arith.index_cast %add3A_402 : i32 to index
        %get3A_404 = arith.constant 0 : index
        %get3A_405 = tpu.vector_load %arg8[%get3A_403, %get3A_404] {strides = array<i32>} : memref<400x32xi32, #tpu.memory_space<vmem>>, vector<1x16xi32>,
        %get3A_406 = vector.shape_cast %get3A_405 : vector<1x16xi32> to vector<16xi32>
        %get3A_407 = arith.index_cast %add3A_402 : i32 to index
        %get3A_408 = arith.constant 16 : index
        %get3A_409 = tpu.vector_load %arg8[%get3A_407, %get3A_408] {strides = array<i32>} : memref<400x32xi32, #tpu.memory_space<vmem>>, vector<1x16xi32>,
        %get3A_410 = vector.shape_cast %get3A_409 : vector<1x16xi32> to vector<16xi32>
        %shift_left3A_411 = arith.constant 16 : i32
        %shift_left3A_412 = vector.broadcast %shift_left3A_411 : i32 to vector<16xi32>
        %shift_left3A_413 = arith.shli %get3A_406, %shift_left3A_412 : vector<16xi32>
        %bitcast_convert_type3A_414 = tpu.bitcast %shift_left3A_413 : vector<16xi32> -> vector<16xf32>
        %add3A_415 = arith.addf %add3A_391, %bitcast_convert_type3A_414 : vector<16xf32>
        %shift_left3A_416 = arith.constant 16 : i32
        %shift_left3A_417 = vector.broadcast %shift_left3A_416 : i32 to vector<16xi32>
        %shift_left3A_418 = arith.shli %get3A_410, %shift_left3A_417 : vector<16xi32>
        %bitcast_convert_type3A_419 = tpu.bitcast %shift_left3A_418 : vector<16xi32> -> vector<16xf32>
        %add3A_420 = arith.addf %add3A_396, %bitcast_convert_type3A_419 : vector<16xf32>
        %bitcast_convert_type3A_421 = tpu.bitcast %get3A_406 : vector<16xi32> -> vector<16xf32>
        %add3A_422 = arith.addf %add3A_398, %bitcast_convert_type3A_421 : vector<16xf32>
        %bitcast_convert_type3A_423 = tpu.bitcast %get3A_410 : vector<16xi32> -> vector<16xf32>
        %add3A_424 = arith.addf %add3A_400, %bitcast_convert_type3A_423 : vector<16xf32>
        %add3A_425 = arith.constant 6 : i32
        %add3A_426 = arith.addi %add3A_282, %add3A_425 : i32
        %get3A_427 = arith.index_cast %add3A_426 : i32 to index
        %get3A_428 = arith.constant 0 : index
        %get3A_429 = tpu.vector_load %arg8[%get3A_427, %get3A_428] {strides = array<i32>} : memref<400x32xi32, #tpu.memory_space<vmem>>, vector<1x16xi32>,
        %get3A_430 = vector.shape_cast %get3A_429 : vector<1x16xi32> to vector<16xi32>
        %get3A_431 = arith.index_cast %add3A_426 : i32 to index
        %get3A_432 = arith.constant 16 : index
        %get3A_433 = tpu.vector_load %arg8[%get3A_431, %get3A_432] {strides = array<i32>} : memref<400x32xi32, #tpu.memory_space<vmem>>, vector<1x16xi32>,
        %get3A_434 = vector.shape_cast %get3A_433 : vector<1x16xi32> to vector<16xi32>
        %shift_left3A_435 = arith.constant 16 : i32
        %shift_left3A_436 = vector.broadcast %shift_left3A_435 : i32 to vector<16xi32>
        %shift_left3A_437 = arith.shli %get3A_430, %shift_left3A_436 : vector<16xi32>
        %bitcast_convert_type3A_438 = tpu.bitcast %shift_left3A_437 : vector<16xi32> -> vector<16xf32>
        %add3A_439 = arith.addf %add3A_415, %bitcast_convert_type3A_438 : vector<16xf32>
        %shift_left3A_440 = arith.constant 16 : i32
        %shift_left3A_441 = vector.broadcast %shift_left3A_440 : i32 to vector<16xi32>
        %shift_left3A_442 = arith.shli %get3A_434, %shift_left3A_441 : vector<16xi32>
        %bitcast_convert_type3A_443 = tpu.bitcast %shift_left3A_442 : vector<16xi32> -> vector<16xf32>
        %add3A_444 = arith.addf %add3A_420, %bitcast_convert_type3A_443 : vector<16xf32>
        %bitcast_convert_type3A_445 = tpu.bitcast %get3A_430 : vector<16xi32> -> vector<16xf32>
        %add3A_446 = arith.addf %add3A_422, %bitcast_convert_type3A_445 : vector<16xf32>
        %bitcast_convert_type3A_447 = tpu.bitcast %get3A_434 : vector<16xi32> -> vector<16xf32>
        %add3A_448 = arith.addf %add3A_424, %bitcast_convert_type3A_447 : vector<16xf32>
        %add3A_449 = arith.constant 7 : i32
        %add3A_450 = arith.addi %add3A_282, %add3A_449 : i32
        %get3A_451 = arith.index_cast %add3A_450 : i32 to index
        %get3A_452 = arith.constant 0 : index
        %get3A_453 = tpu.vector_load %arg8[%get3A_451, %get3A_452] {strides = array<i32>} : memref<400x32xi32, #tpu.memory_space<vmem>>, vector<1x16xi32>,
        %get3A_454 = vector.shape_cast %get3A_453 : vector<1x16xi32> to vector<16xi32>
        %get3A_455 = arith.index_cast %add3A_450 : i32 to index
        %get3A_456 = arith.constant 16 : index
        %get3A_457 = tpu.vector_load %arg8[%get3A_455, %get3A_456] {strides = array<i32>} : memref<400x32xi32, #tpu.memory_space<vmem>>, vector<1x16xi32>,
        %get3A_458 = vector.shape_cast %get3A_457 : vector<1x16xi32> to vector<16xi32>
        %shift_left3A_459 = arith.constant 16 : i32
        %shift_left3A_460 = vector.broadcast %shift_left3A_459 : i32 to vector<16xi32>
        %shift_left3A_461 = arith.shli %get3A_454, %shift_left3A_460 : vector<16xi32>
        %bitcast_convert_type3A_462 = tpu.bitcast %shift_left3A_461 : vector<16xi32> -> vector<16xf32>
        %add3A_463 = arith.addf %add3A_439, %bitcast_convert_type3A_462 : vector<16xf32>
        %shift_left3A_464 = arith.constant 16 : i32
        %shift_left3A_465 = vector.broadcast %shift_left3A_464 : i32 to vector<16xi32>
        %shift_left3A_466 = arith.shli %get3A_458, %shift_left3A_465 : vector<16xi32>
        %bitcast_convert_type3A_467 = tpu.bitcast %shift_left3A_466 : vector<16xi32> -> vector<16xf32>
        %add3A_468 = arith.addf %add3A_444, %bitcast_convert_type3A_467 : vector<16xf32>
        %bitcast_convert_type3A_469 = tpu.bitcast %get3A_454 : vector<16xi32> -> vector<16xf32>
        %add3A_470 = arith.addf %add3A_446, %bitcast_convert_type3A_469 : vector<16xf32>
        %bitcast_convert_type3A_471 = tpu.bitcast %get3A_458 : vector<16xi32> -> vector<16xf32>
        %add3A_472 = arith.addf %add3A_448, %bitcast_convert_type3A_471 : vector<16xf32>
        scf.yield %add3A_463, %add3A_468, %add3A_470, %add3A_472 : vector<16xf32>, vector<16xf32>, vector<16xf32>, vector<16xf32>
      }
      %scan3A_219 = arith.constant 25 : i32
      %mul3A_220 = arith.constant 2 : i32
      %mul3A_221 = arith.muli %add3A_213, %mul3A_220 : i32
      %add3A_222 = arith.constant 0 : i32
      %add3A_223 = arith.addi %mul3A_221, %add3A_222 : i32
      %swap3A_224 = arith.index_cast %add3A_223 : i32 to index
      %swap3A_225 = arith.constant 0 : index
      %swap3A_226 = tpu.vector_load %arg9[%swap3A_224, %swap3A_225] {strides = array<i32>} : memref<128x64xf32, #tpu.memory_space<vmem>>, vector<1x16xf32>,
      %swap3A_227 = vector.shape_cast %swap3A_226 : vector<1x16xf32> to vector<16xf32>
      %swap3A_228 = vector.shape_cast %scan3A_218#0 : vector<16xf32> to vector<1x16xf32>
      tpu.vector_store %arg9[%swap3A_224, %swap3A_225], %swap3A_228 {strides = array<i32>} : memref<128x64xf32, #tpu.memory_space<vmem>>, vector<1x16xf32>,
      %swap3A_229 = arith.index_cast %add3A_223 : i32 to index
      %swap3A_230 = arith.constant 16 : index
      %swap3A_231 = tpu.vector_load %arg9[%swap3A_229, %swap3A_230] {strides = array<i32>} : memref<128x64xf32, #tpu.memory_space<vmem>>, vector<1x16xf32>,
      %swap3A_232 = vector.shape_cast %swap3A_231 : vector<1x16xf32> to vector<16xf32>
      %swap3A_233 = vector.shape_cast %scan3A_218#1 : vector<16xf32> to vector<1x16xf32>
      tpu.vector_store %arg9[%swap3A_229, %swap3A_230], %swap3A_233 {strides = array<i32>} : memref<128x64xf32, #tpu.memory_space<vmem>>, vector<1x16xf32>,
      %swap3A_234 = arith.index_cast %add3A_223 : i32 to index
      %swap3A_235 = arith.constant 32 : index
      %swap3A_236 = tpu.vector_load %arg9[%swap3A_234, %swap3A_235] {strides = array<i32>} : memref<128x64xf32, #tpu.memory_space<vmem>>, vector<1x16xf32>,
      %swap3A_237 = vector.shape_cast %swap3A_236 : vector<1x16xf32> to vector<16xf32>
      %swap3A_238 = vector.shape_cast %scan3A_218#2 : vector<16xf32> to vector<1x16xf32>
      tpu.vector_store %arg9[%swap3A_234, %swap3A_235], %swap3A_238 {strides = array<i32>} : memref<128x64xf32, #tpu.memory_space<vmem>>, vector<1x16xf32>,
      %swap3A_239 = arith.index_cast %add3A_223 : i32 to index
      %swap3A_240 = arith.constant 48 : index
      %swap3A_241 = tpu.vector_load %arg9[%swap3A_239, %swap3A_240] {strides = array<i32>} : memref<128x64xf32, #tpu.memory_space<vmem>>, vector<1x16xf32>,
      %swap3A_242 = vector.shape_cast %swap3A_241 : vector<1x16xf32> to vector<16xf32>
      %swap3A_243 = vector.shape_cast %scan3A_218#3 : vector<16xf32> to vector<1x16xf32>
      tpu.vector_store %arg9[%swap3A_239, %swap3A_240], %swap3A_243 {strides = array<i32>} : memref<128x64xf32, #tpu.memory_space<vmem>>, vector<1x16xf32>,
      %scan3A_244 = arith.constant 0 : i32
      %scan3A_245 = arith.constant 25 : i32
      %scan3A_246 = arith.addi %scan3A_244, %scan3A_245 : i32
      %scan3A_247 = arith.constant 1 : i32
      %scan3A_248:4 = scf.for %scan3A_274 = %scan3A_244 to %scan3A_246 step %scan3A_247 iter_args(%scan3A_275 = %get3A_2, %scan3A_276 = %get3A_5, %scan3A_277 = %get3A_8, %scan3A_278 = %get3A_11) -> (vector<16xf32>, vector<16xf32>, vector<16xf32>, vector<16xf32>)  : i32 {
        %mul3A_279 = arith.constant 8 : i32
        %mul3A_280 = arith.muli %scan3A_274, %mul3A_279 : i32
        %add3A_281 = arith.constant 200 : i32
        %add3A_282 = arith.addi %add3A_281, %mul3A_280 : i32
        %add3A_283 = arith.constant 0 : i32
        %add3A_284 = arith.addi %add3A_282, %add3A_283 : i32
        %get3A_285 = arith.index_cast %add3A_284 : i32 to index
        %get3A_286 = arith.constant 0 : index
        %get3A_287 = tpu.vector_load %arg8[%get3A_285, %get3A_286] {strides = array<i32>} : memref<400x32xi32, #tpu.memory_space<vmem>>, vector<1x16xi32>,
        %get3A_288 = vector.shape_cast %get3A_287 : vector<1x16xi32> to vector<16xi32>
        %get3A_289 = arith.index_cast %add3A_284 : i32 to index
        %get3A_290 = arith.constant 16 : index
        %get3A_291 = tpu.vector_load %arg8[%get3A_289, %get3A_290] {strides = array<i32>} : memref<400x32xi32, #tpu.memory_space<vmem>>, vector<1x16xi32>,
        %get3A_292 = vector.shape_cast %get3A_291 : vector<1x16xi32> to vector<16xi32>
        %shift_left3A = arith.constant 16 : i32
        %shift_left3A_293 = vector.broadcast %shift_left3A : i32 to vector<16xi32>
        %shift_left3A_294 = arith.shli %get3A_288, %shift_left3A_293 : vector<16xi32>
        %bitcast_convert_type3A = tpu.bitcast %shift_left3A_294 : vector<16xi32> -> vector<16xf32>
        %add3A_295 = arith.addf %scan3A_275, %bitcast_convert_type3A : vector<16xf32>
        %shift_left3A_296 = arith.constant 16 : i32
        %shift_left3A_297 = vector.broadcast %shift_left3A_296 : i32 to vector<16xi32>
        %shift_left3A_298 = arith.shli %get3A_292, %shift_left3A_297 : vector<16xi32>
        %bitcast_convert_type3A_299 = tpu.bitcast %shift_left3A_298 : vector<16xi32> -> vector<16xf32>
        %add3A_300 = arith.addf %scan3A_276, %bitcast_convert_type3A_299 : vector<16xf32>
        %bitcast_convert_type3A_301 = tpu.bitcast %get3A_288 : vector<16xi32> -> vector<16xf32>
        %add3A_302 = arith.addf %scan3A_277, %bitcast_convert_type3A_301 : vector<16xf32>
        %bitcast_convert_type3A_303 = tpu.bitcast %get3A_292 : vector<16xi32> -> vector<16xf32>
        %add3A_304 = arith.addf %scan3A_278, %bitcast_convert_type3A_303 : vector<16xf32>
        %add3A_305 = arith.constant 1 : i32
        %add3A_306 = arith.addi %add3A_282, %add3A_305 : i32
        %get3A_307 = arith.index_cast %add3A_306 : i32 to index
        %get3A_308 = arith.constant 0 : index
        %get3A_309 = tpu.vector_load %arg8[%get3A_307, %get3A_308] {strides = array<i32>} : memref<400x32xi32, #tpu.memory_space<vmem>>, vector<1x16xi32>,
        %get3A_310 = vector.shape_cast %get3A_309 : vector<1x16xi32> to vector<16xi32>
        %get3A_311 = arith.index_cast %add3A_306 : i32 to index
        %get3A_312 = arith.constant 16 : index
        %get3A_313 = tpu.vector_load %arg8[%get3A_311, %get3A_312] {strides = array<i32>} : memref<400x32xi32, #tpu.memory_space<vmem>>, vector<1x16xi32>,
        %get3A_314 = vector.shape_cast %get3A_313 : vector<1x16xi32> to vector<16xi32>
        %shift_left3A_315 = arith.constant 16 : i32
        %shift_left3A_316 = vector.broadcast %shift_left3A_315 : i32 to vector<16xi32>
        %shift_left3A_317 = arith.shli %get3A_310, %shift_left3A_316 : vector<16xi32>
        %bitcast_convert_type3A_318 = tpu.bitcast %shift_left3A_317 : vector<16xi32> -> vector<16xf32>
        %add3A_319 = arith.addf %add3A_295, %bitcast_convert_type3A_318 : vector<16xf32>
        %shift_left3A_320 = arith.constant 16 : i32
        %shift_left3A_321 = vector.broadcast %shift_left3A_320 : i32 to vector<16xi32>
        %shift_left3A_322 = arith.shli %get3A_314, %shift_left3A_321 : vector<16xi32>
        %bitcast_convert_type3A_323 = tpu.bitcast %shift_left3A_322 : vector<16xi32> -> vector<16xf32>
        %add3A_324 = arith.addf %add3A_300, %bitcast_convert_type3A_323 : vector<16xf32>
        %bitcast_convert_type3A_325 = tpu.bitcast %get3A_310 : vector<16xi32> -> vector<16xf32>
        %add3A_326 = arith.addf %add3A_302, %bitcast_convert_type3A_325 : vector<16xf32>
        %bitcast_convert_type3A_327 = tpu.bitcast %get3A_314 : vector<16xi32> -> vector<16xf32>
        %add3A_328 = arith.addf %add3A_304, %bitcast_convert_type3A_327 : vector<16xf32>
        %add3A_329 = arith.constant 2 : i32
        %add3A_330 = arith.addi %add3A_282, %add3A_329 : i32
        %get3A_331 = arith.index_cast %add3A_330 : i32 to index
        %get3A_332 = arith.constant 0 : index
        %get3A_333 = tpu.vector_load %arg8[%get3A_331, %get3A_332] {strides = array<i32>} : memref<400x32xi32, #tpu.memory_space<vmem>>, vector<1x16xi32>,
        %get3A_334 = vector.shape_cast %get3A_333 : vector<1x16xi32> to vector<16xi32>
        %get3A_335 = arith.index_cast %add3A_330 : i32 to index
        %get3A_336 = arith.constant 16 : index
        %get3A_337 = tpu.vector_load %arg8[%get3A_335, %get3A_336] {strides = array<i32>} : memref<400x32xi32, #tpu.memory_space<vmem>>, vector<1x16xi32>,
        %get3A_338 = vector.shape_cast %get3A_337 : vector<1x16xi32> to vector<16xi32>
        %shift_left3A_339 = arith.constant 16 : i32
        %shift_left3A_340 = vector.broadcast %shift_left3A_339 : i32 to vector<16xi32>
        %shift_left3A_341 = arith.shli %get3A_334, %shift_left3A_340 : vector<16xi32>
        %bitcast_convert_type3A_342 = tpu.bitcast %shift_left3A_341 : vector<16xi32> -> vector<16xf32>
        %add3A_343 = arith.addf %add3A_319, %bitcast_convert_type3A_342 : vector<16xf32>
        %shift_left3A_344 = arith.constant 16 : i32
        %shift_left3A_345 = vector.broadcast %shift_left3A_344 : i32 to vector<16xi32>
        %shift_left3A_346 = arith.shli %get3A_338, %shift_left3A_345 : vector<16xi32>
        %bitcast_convert_type3A_347 = tpu.bitcast %shift_left3A_346 : vector<16xi32> -> vector<16xf32>
        %add3A_348 = arith.addf %add3A_324, %bitcast_convert_type3A_347 : vector<16xf32>
        %bitcast_convert_type3A_349 = tpu.bitcast %get3A_334 : vector<16xi32> -> vector<16xf32>
        %add3A_350 = arith.addf %add3A_326, %bitcast_convert_type3A_349 : vector<16xf32>
        %bitcast_convert_type3A_351 = tpu.bitcast %get3A_338 : vector<16xi32> -> vector<16xf32>
        %add3A_352 = arith.addf %add3A_328, %bitcast_convert_type3A_351 : vector<16xf32>
        %add3A_353 = arith.constant 3 : i32
        %add3A_354 = arith.addi %add3A_282, %add3A_353 : i32
        %get3A_355 = arith.index_cast %add3A_354 : i32 to index
        %get3A_356 = arith.constant 0 : index
        %get3A_357 = tpu.vector_load %arg8[%get3A_355, %get3A_356] {strides = array<i32>} : memref<400x32xi32, #tpu.memory_space<vmem>>, vector<1x16xi32>,
        %get3A_358 = vector.shape_cast %get3A_357 : vector<1x16xi32> to vector<16xi32>
        %get3A_359 = arith.index_cast %add3A_354 : i32 to index
        %get3A_360 = arith.constant 16 : index
        %get3A_361 = tpu.vector_load %arg8[%get3A_359, %get3A_360] {strides = array<i32>} : memref<400x32xi32, #tpu.memory_space<vmem>>, vector<1x16xi32>,
        %get3A_362 = vector.shape_cast %get3A_361 : vector<1x16xi32> to vector<16xi32>
        %shift_left3A_363 = arith.constant 16 : i32
        %shift_left3A_364 = vector.broadcast %shift_left3A_363 : i32 to vector<16xi32>
        %shift_left3A_365 = arith.shli %get3A_358, %shift_left3A_364 : vector<16xi32>
        %bitcast_convert_type3A_366 = tpu.bitcast %shift_left3A_365 : vector<16xi32> -> vector<16xf32>
        %add3A_367 = arith.addf %add3A_343, %bitcast_convert_type3A_366 : vector<16xf32>
        %shift_left3A_368 = arith.constant 16 : i32
        %shift_left3A_369 = vector.broadcast %shift_left3A_368 : i32 to vector<16xi32>
        %shift_left3A_370 = arith.shli %get3A_362, %shift_left3A_369 : vector<16xi32>
        %bitcast_convert_type3A_371 = tpu.bitcast %shift_left3A_370 : vector<16xi32> -> vector<16xf32>
        %add3A_372 = arith.addf %add3A_348, %bitcast_convert_type3A_371 : vector<16xf32>
        %bitcast_convert_type3A_373 = tpu.bitcast %get3A_358 : vector<16xi32> -> vector<16xf32>
        %add3A_374 = arith.addf %add3A_350, %bitcast_convert_type3A_373 : vector<16xf32>
        %bitcast_convert_type3A_375 = tpu.bitcast %get3A_362 : vector<16xi32> -> vector<16xf32>
        %add3A_376 = arith.addf %add3A_352, %bitcast_convert_type3A_375 : vector<16xf32>
        %add3A_377 = arith.constant 4 : i32
        %add3A_378 = arith.addi %add3A_282, %add3A_377 : i32
        %get3A_379 = arith.index_cast %add3A_378 : i32 to index
        %get3A_380 = arith.constant 0 : index
        %get3A_381 = tpu.vector_load %arg8[%get3A_379, %get3A_380] {strides = array<i32>} : memref<400x32xi32, #tpu.memory_space<vmem>>, vector<1x16xi32>,
        %get3A_382 = vector.shape_cast %get3A_381 : vector<1x16xi32> to vector<16xi32>
        %get3A_383 = arith.index_cast %add3A_378 : i32 to index
        %get3A_384 = arith.constant 16 : index
        %get3A_385 = tpu.vector_load %arg8[%get3A_383, %get3A_384] {strides = array<i32>} : memref<400x32xi32, #tpu.memory_space<vmem>>, vector<1x16xi32>,
        %get3A_386 = vector.shape_cast %get3A_385 : vector<1x16xi32> to vector<16xi32>
        %shift_left3A_387 = arith.constant 16 : i32
        %shift_left3A_388 = vector.broadcast %shift_left3A_387 : i32 to vector<16xi32>
        %shift_left3A_389 = arith.shli %get3A_382, %shift_left3A_388 : vector<16xi32>
        %bitcast_convert_type3A_390 = tpu.bitcast %shift_left3A_389 : vector<16xi32> -> vector<16xf32>
        %add3A_391 = arith.addf %add3A_367, %bitcast_convert_type3A_390 : vector<16xf32>
        %shift_left3A_392 = arith.constant 16 : i32
        %shift_left3A_393 = vector.broadcast %shift_left3A_392 : i32 to vector<16xi32>
        %shift_left3A_394 = arith.shli %get3A_386, %shift_left3A_393 : vector<16xi32>
        %bitcast_convert_type3A_395 = tpu.bitcast %shift_left3A_394 : vector<16xi32> -> vector<16xf32>
        %add3A_396 = arith.addf %add3A_372, %bitcast_convert_type3A_395 : vector<16xf32>
        %bitcast_convert_type3A_397 = tpu.bitcast %get3A_382 : vector<16xi32> -> vector<16xf32>
        %add3A_398 = arith.addf %add3A_374, %bitcast_convert_type3A_397 : vector<16xf32>
        %bitcast_convert_type3A_399 = tpu.bitcast %get3A_386 : vector<16xi32> -> vector<16xf32>
        %add3A_400 = arith.addf %add3A_376, %bitcast_convert_type3A_399 : vector<16xf32>
        %add3A_401 = arith.constant 5 : i32
        %add3A_402 = arith.addi %add3A_282, %add3A_401 : i32
        %get3A_403 = arith.index_cast %add3A_402 : i32 to index
        %get3A_404 = arith.constant 0 : index
        %get3A_405 = tpu.vector_load %arg8[%get3A_403, %get3A_404] {strides = array<i32>} : memref<400x32xi32, #tpu.memory_space<vmem>>, vector<1x16xi32>,
        %get3A_406 = vector.shape_cast %get3A_405 : vector<1x16xi32> to vector<16xi32>
        %get3A_407 = arith.index_cast %add3A_402 : i32 to index
        %get3A_408 = arith.constant 16 : index
        %get3A_409 = tpu.vector_load %arg8[%get3A_407, %get3A_408] {strides = array<i32>} : memref<400x32xi32, #tpu.memory_space<vmem>>, vector<1x16xi32>,
        %get3A_410 = vector.shape_cast %get3A_409 : vector<1x16xi32> to vector<16xi32>
        %shift_left3A_411 = arith.constant 16 : i32
        %shift_left3A_412 = vector.broadcast %shift_left3A_411 : i32 to vector<16xi32>
        %shift_left3A_413 = arith.shli %get3A_406, %shift_left3A_412 : vector<16xi32>
        %bitcast_convert_type3A_414 = tpu.bitcast %shift_left3A_413 : vector<16xi32> -> vector<16xf32>
        %add3A_415 = arith.addf %add3A_391, %bitcast_convert_type3A_414 : vector<16xf32>
        %shift_left3A_416 = arith.constant 16 : i32
        %shift_left3A_417 = vector.broadcast %shift_left3A_416 : i32 to vector<16xi32>
        %shift_left3A_418 = arith.shli %get3A_410, %shift_left3A_417 : vector<16xi32>
        %bitcast_convert_type3A_419 = tpu.bitcast %shift_left3A_418 : vector<16xi32> -> vector<16xf32>
        %add3A_420 = arith.addf %add3A_396, %bitcast_convert_type3A_419 : vector<16xf32>
        %bitcast_convert_type3A_421 = tpu.bitcast %get3A_406 : vector<16xi32> -> vector<16xf32>
        %add3A_422 = arith.addf %add3A_398, %bitcast_convert_type3A_421 : vector<16xf32>
        %bitcast_convert_type3A_423 = tpu.bitcast %get3A_410 : vector<16xi32> -> vector<16xf32>
        %add3A_424 = arith.addf %add3A_400, %bitcast_convert_type3A_423 : vector<16xf32>
        %add3A_425 = arith.constant 6 : i32
        %add3A_426 = arith.addi %add3A_282, %add3A_425 : i32
        %get3A_427 = arith.index_cast %add3A_426 : i32 to index
        %get3A_428 = arith.constant 0 : index
        %get3A_429 = tpu.vector_load %arg8[%get3A_427, %get3A_428] {strides = array<i32>} : memref<400x32xi32, #tpu.memory_space<vmem>>, vector<1x16xi32>,
        %get3A_430 = vector.shape_cast %get3A_429 : vector<1x16xi32> to vector<16xi32>
        %get3A_431 = arith.index_cast %add3A_426 : i32 to index
        %get3A_432 = arith.constant 16 : index
        %get3A_433 = tpu.vector_load %arg8[%get3A_431, %get3A_432] {strides = array<i32>} : memref<400x32xi32, #tpu.memory_space<vmem>>, vector<1x16xi32>,
        %get3A_434 = vector.shape_cast %get3A_433 : vector<1x16xi32> to vector<16xi32>
        %shift_left3A_435 = arith.constant 16 : i32
        %shift_left3A_436 = vector.broadcast %shift_left3A_435 : i32 to vector<16xi32>
        %shift_left3A_437 = arith.shli %get3A_430, %shift_left3A_436 : vector<16xi32>
        %bitcast_convert_type3A_438 = tpu.bitcast %shift_left3A_437 : vector<16xi32> -> vector<16xf32>
        %add3A_439 = arith.addf %add3A_415, %bitcast_convert_type3A_438 : vector<16xf32>
        %shift_left3A_440 = arith.constant 16 : i32
        %shift_left3A_441 = vector.broadcast %shift_left3A_440 : i32 to vector<16xi32>
        %shift_left3A_442 = arith.shli %get3A_434, %shift_left3A_441 : vector<16xi32>
        %bitcast_convert_type3A_443 = tpu.bitcast %shift_left3A_442 : vector<16xi32> -> vector<16xf32>
        %add3A_444 = arith.addf %add3A_420, %bitcast_convert_type3A_443 : vector<16xf32>
        %bitcast_convert_type3A_445 = tpu.bitcast %get3A_430 : vector<16xi32> -> vector<16xf32>
        %add3A_446 = arith.addf %add3A_422, %bitcast_convert_type3A_445 : vector<16xf32>
        %bitcast_convert_type3A_447 = tpu.bitcast %get3A_434 : vector<16xi32> -> vector<16xf32>
        %add3A_448 = arith.addf %add3A_424, %bitcast_convert_type3A_447 : vector<16xf32>
        %add3A_449 = arith.constant 7 : i32
        %add3A_450 = arith.addi %add3A_282, %add3A_449 : i32
        %get3A_451 = arith.index_cast %add3A_450 : i32 to index
        %get3A_452 = arith.constant 0 : index
        %get3A_453 = tpu.vector_load %arg8[%get3A_451, %get3A_452] {strides = array<i32>} : memref<400x32xi32, #tpu.memory_space<vmem>>, vector<1x16xi32>,
        %get3A_454 = vector.shape_cast %get3A_453 : vector<1x16xi32> to vector<16xi32>
        %get3A_455 = arith.index_cast %add3A_450 : i32 to index
        %get3A_456 = arith.constant 16 : index
        %get3A_457 = tpu.vector_load %arg8[%get3A_455, %get3A_456] {strides = array<i32>} : memref<400x32xi32, #tpu.memory_space<vmem>>, vector<1x16xi32>,
        %get3A_458 = vector.shape_cast %get3A_457 : vector<1x16xi32> to vector<16xi32>
        %shift_left3A_459 = arith.constant 16 : i32
        %shift_left3A_460 = vector.broadcast %shift_left3A_459 : i32 to vector<16xi32>
        %shift_left3A_461 = arith.shli %get3A_454, %shift_left3A_460 : vector<16xi32>
        %bitcast_convert_type3A_462 = tpu.bitcast %shift_left3A_461 : vector<16xi32> -> vector<16xf32>
        %add3A_463 = arith.addf %add3A_439, %bitcast_convert_type3A_462 : vector<16xf32>
        %shift_left3A_464 = arith.constant 16 : i32
        %shift_left3A_465 = vector.broadcast %shift_left3A_464 : i32 to vector<16xi32>
        %shift_left3A_466 = arith.shli %get3A_458, %shift_left3A_465 : vector<16xi32>
        %bitcast_convert_type3A_467 = tpu.bitcast %shift_left3A_466 : vector<16xi32> -> vector<16xf32>
        %add3A_468 = arith.addf %add3A_444, %bitcast_convert_type3A_467 : vector<16xf32>
        %bitcast_convert_type3A_469 = tpu.bitcast %get3A_454 : vector<16xi32> -> vector<16xf32>
        %add3A_470 = arith.addf %add3A_446, %bitcast_convert_type3A_469 : vector<16xf32>
        %bitcast_convert_type3A_471 = tpu.bitcast %get3A_458 : vector<16xi32> -> vector<16xf32>
        %add3A_472 = arith.addf %add3A_448, %bitcast_convert_type3A_471 : vector<16xf32>
        scf.yield %add3A_463, %add3A_468, %add3A_470, %add3A_472 : vector<16xf32>, vector<16xf32>, vector<16xf32>, vector<16xf32>
      }
      %scan3A_249 = arith.constant 25 : i32
      %mul3A_250 = arith.constant 2 : i32
      %mul3A_251 = arith.muli %add3A_213, %mul3A_250 : i32
      %add3A_252 = arith.constant 1 : i32
      %add3A_253 = arith.addi %mul3A_251, %add3A_252 : i32
      %swap3A_254 = arith.index_cast %add3A_253 : i32 to index
      %swap3A_255 = arith.constant 0 : index
      %swap3A_256 = tpu.vector_load %arg9[%swap3A_254, %swap3A_255] {strides = array<i32>} : memref<128x64xf32, #tpu.memory_space<vmem>>, vector<1x16xf32>,
      %swap3A_257 = vector.shape_cast %swap3A_256 : vector<1x16xf32> to vector<16xf32>
      %swap3A_258 = vector.shape_cast %scan3A_248#0 : vector<16xf32> to vector<1x16xf32>
      tpu.vector_store %arg9[%swap3A_254, %swap3A_255], %swap3A_258 {strides = array<i32>} : memref<128x64xf32, #tpu.memory_space<vmem>>, vector<1x16xf32>,
      %swap3A_259 = arith.index_cast %add3A_253 : i32 to index
      %swap3A_260 = arith.constant 16 : index
      %swap3A_261 = tpu.vector_load %arg9[%swap3A_259, %swap3A_260] {strides = array<i32>} : memref<128x64xf32, #tpu.memory_space<vmem>>, vector<1x16xf32>,
      %swap3A_262 = vector.shape_cast %swap3A_261 : vector<1x16xf32> to vector<16xf32>
      %swap3A_263 = vector.shape_cast %scan3A_248#1 : vector<16xf32> to vector<1x16xf32>
      tpu.vector_store %arg9[%swap3A_259, %swap3A_260], %swap3A_263 {strides = array<i32>} : memref<128x64xf32, #tpu.memory_space<vmem>>, vector<1x16xf32>,
      %swap3A_264 = arith.index_cast %add3A_253 : i32 to index
      %swap3A_265 = arith.constant 32 : index
      %swap3A_266 = tpu.vector_load %arg9[%swap3A_264, %swap3A_265] {strides = array<i32>} : memref<128x64xf32, #tpu.memory_space<vmem>>, vector<1x16xf32>,
      %swap3A_267 = vector.shape_cast %swap3A_266 : vector<1x16xf32> to vector<16xf32>
      %swap3A_268 = vector.shape_cast %scan3A_248#2 : vector<16xf32> to vector<1x16xf32>
      tpu.vector_store %arg9[%swap3A_264, %swap3A_265], %swap3A_268 {strides = array<i32>} : memref<128x64xf32, #tpu.memory_space<vmem>>, vector<1x16xf32>,
      %swap3A_269 = arith.index_cast %add3A_253 : i32 to index
      %swap3A_270 = arith.constant 48 : index
      %swap3A_271 = tpu.vector_load %arg9[%swap3A_269, %swap3A_270] {strides = array<i32>} : memref<128x64xf32, #tpu.memory_space<vmem>>, vector<1x16xf32>,
      %swap3A_272 = vector.shape_cast %swap3A_271 : vector<1x16xf32> to vector<16xf32>
      %swap3A_273 = vector.shape_cast %scan3A_248#3 : vector<16xf32> to vector<1x16xf32>
      tpu.vector_store %arg9[%swap3A_269, %swap3A_270], %swap3A_273 {strides = array<i32>} : memref<128x64xf32, #tpu.memory_space<vmem>>, vector<1x16xf32>,
    }
    %scan3A_65 = arith.constant 32 : i32
    "tpu.region"() ({
      %run_scoped3A = tpu.sem_alloc : memref<!tpu.dma_semaphore, #tpu.memory_space<semaphore_mem>>
      %dma_start3A_66 = arith.constant 0 : i32
      %dma_start3A_67 = arith.constant 0 : i32
      %dma_start3A_68 = tpu.memref_slice %arg5[%add3A, %dma_start3A_66, %dma_start3A_67] : memref<32x128x64xf32, #tpu.memory_space<hbm>> -> memref<1x128x64xf32, #tpu.memory_space<hbm>>
      %dma_start3A_69 = tpu.memref_squeeze %dma_start3A_68 : memref<1x128x64xf32, #tpu.memory_space<hbm>> -> memref<128x64xf32, #tpu.memory_space<hbm>>
      %dma_start3A_70 = arith.constant 0 : i32
      %dma_start3A_71 = arith.constant 0 : i32
      %dma_start3A_72 = tpu.memref_slice %arg5[%add3A, %dma_start3A_70, %dma_start3A_71] : memref<32x128x64xf32, #tpu.memory_space<hbm>> -> memref<1x128x64xf32, #tpu.memory_space<hbm>>
      %dma_start3A_73 = tpu.memref_squeeze %dma_start3A_72 : memref<1x128x64xf32, #tpu.memory_space<hbm>> -> memref<128x64xf32, #tpu.memory_space<hbm>>
      tpu.enqueue_dma source(%arg9 : memref<128x64xf32, #tpu.memory_space<vmem>>) target(%dma_start3A_73 : memref<128x64xf32, #tpu.memory_space<hbm>>) target_semaphore(%run_scoped3A : memref<!tpu.dma_semaphore, #tpu.memory_space<semaphore_mem>>)
      %dma_wait3A = arith.constant 0 : i32
      %dma_wait3A_74 = arith.constant 0 : i32
      %dma_wait3A_75 = tpu.memref_slice %arg5[%add3A, %dma_wait3A, %dma_wait3A_74] : memref<32x128x64xf32, #tpu.memory_space<hbm>> -> memref<1x128x64xf32, #tpu.memory_space<hbm>>
      %dma_wait3A_76 = tpu.memref_squeeze %dma_wait3A_75 : memref<1x128x64xf32, #tpu.memory_space<hbm>> -> memref<128x64xf32, #tpu.memory_space<hbm>>
      %dma_wait3A_77 = arith.constant 0 : i32
      %dma_wait3A_78 = arith.constant 0 : i32
      %dma_wait3A_79 = tpu.memref_slice %arg5[%add3A, %dma_wait3A_77, %dma_wait3A_78] : memref<32x128x64xf32, #tpu.memory_space<hbm>> -> memref<1x128x64xf32, #tpu.memory_space<hbm>>
      %dma_wait3A_80 = tpu.memref_squeeze %dma_wait3A_79 : memref<1x128x64xf32, #tpu.memory_space<hbm>> -> memref<128x64xf32, #tpu.memory_space<hbm>>
      tpu.wait_dma2 semaphore(%run_scoped3A : memref<!tpu.dma_semaphore, #tpu.memory_space<semaphore_mem>>) src(%arg9 : memref<128x64xf32, #tpu.memory_space<vmem>>) dst(%dma_wait3A_80 : memref<128x64xf32, #tpu.memory_space<hbm>>)
      tpu.yield
    }) : () -> ()
    return
  }
}

module attributes {stable_mosaic.version = 14 : i64} {
  func.func @_prep_body(%arg0: i32, %arg1: memref<64x12544xf32, #tpu.memory_space<vmem>>, %arg2: memref<12544x128xi32, #tpu.memory_space<vmem>>, %arg3: memref<64x1xf32, #tpu.memory_space<vmem>>, %arg4: memref<64x1xf32, #tpu.memory_space<vmem>>, %arg5: memref<64x128xf32, #tpu.memory_space<vmem>>) attributes {dimension_semantics = [#tpu.dimension_semantics<arbitrary>], iteration_bounds = array<i64: 8>, scalar_prefetch = 0 : i64, scratch_operands = 2 : i64, tpu.core_type = #tpu.core_type<tc>, window_params = [{transform_indices = @transform_0, window_bounds = array<i64: 64, 12544>}, {transform_indices = @transform_1, window_bounds = array<i64: 12544, 128>}, {pipeline_mode = #tpu.pipeline_mode<synchronous>, transform_indices = @transform_2, window_bounds = array<i64: 64, 1>}]} {
    %get3A = arith.constant 0 : index
    %get3A_0 = arith.constant 0 : index
    %get3A_1 = vector.load %arg1[%get3A, %get3A_0] : memref<64x12544xf32, #tpu.memory_space<vmem>>, vector<64x12544xf32>
    %mul3A = arith.constant 12544 : i32
    %mul3A_2 = arith.muli %arg0, %mul3A : i32
    %iota3A = tpu.iota {dimensions = array<i32: 1>} : vector<64x12544xi32>
    %add3A = vector.broadcast %mul3A_2 : i32 to vector<64x12544xi32>
    %add3A_3 = arith.addi %add3A, %iota3A : vector<64x12544xi32>
    %lt3A = arith.constant 100000 : i32
    %lt3A_4 = vector.broadcast %lt3A : i32 to vector<64x12544xi32>
    %lt3A_5 = arith.cmpi slt, %add3A_3, %lt3A_4 : vector<64x12544xi32>
    %jit3A = arith.constant 0xFF800000 : f32
    %broadcast_in_dim3A = vector.broadcast %jit3A : f32 to vector<64x12544xf32>
    %select_n3A = arith.select %lt3A_5, %get3A_1, %broadcast_in_dim3A : vector<64x12544xi1>, vector<64x12544xf32>
    %slice3A = vector.extract_strided_slice %get3A_1 {offsets = [0, 0], sizes = [32, 12544], strides = [1, 1]} : vector<64x12544xf32> to vector<32x12544xf32>
    %convert_element_type3A = arith.truncf %slice3A : vector<32x12544xf32> to vector<32x12544xbf16>
    %bitcast_convert_type3A = tpu.bitcast %convert_element_type3A : vector<32x12544xbf16> -> vector<32x12544xi16>
    %convert_element_type3A_6 = arith.extui %bitcast_convert_type3A : vector<32x12544xi16> to vector<32x12544xi32>
    %slice3A_7 = vector.extract_strided_slice %get3A_1 {offsets = [32, 0], sizes = [32, 12544], strides = [1, 1]} : vector<64x12544xf32> to vector<32x12544xf32>
    %convert_element_type3A_8 = arith.truncf %slice3A_7 : vector<32x12544xf32> to vector<32x12544xbf16>
    %bitcast_convert_type3A_9 = tpu.bitcast %convert_element_type3A_8 : vector<32x12544xbf16> -> vector<32x12544xi16>
    %convert_element_type3A_10 = arith.extui %bitcast_convert_type3A_9 : vector<32x12544xi16> to vector<32x12544xi32>
    %shift_left3A = arith.constant 16 : i32
    %shift_left3A_11 = vector.broadcast %shift_left3A : i32 to vector<32x12544xi32>
    %shift_left3A_12 = arith.shli %convert_element_type3A_10, %shift_left3A_11 : vector<32x12544xi32>
    %or3A = arith.ori %convert_element_type3A_6, %shift_left3A_12 : vector<32x12544xi32>
    %bitcast_convert_type3A_13 = tpu.bitcast %or3A : vector<32x12544xi32> -> vector<32x12544xi32>
    %transpose3A = tpu.transpose %bitcast_convert_type3A_13, [1, 0] : vector<32x12544xi32> -> vector<12544x32xi32>
    %broadcast_in_dim3A_14 = arith.constant 0 : i32
    %broadcast_in_dim3A_15 = vector.broadcast %broadcast_in_dim3A_14 : i32 to vector<12544x96xi32>
    %concatenate3A = tpu.concatenate %transpose3A, %broadcast_in_dim3A_15 in 1 : vector<12544x32xi32>, vector<12544x96xi32> -> vector<12544x128xi32>
    %swap3A = arith.constant 0 : index
    %swap3A_16 = arith.constant 0 : index
    %swap3A_17 = vector.load %arg2[%swap3A, %swap3A_16] : memref<12544x128xi32, #tpu.memory_space<vmem>>, vector<12544x128xi32>
    tpu.vector_store %arg2[%swap3A, %swap3A_16], %concatenate3A {strides = array<i32>} : memref<12544x128xi32, #tpu.memory_space<vmem>>, vector<12544x128xi32>,
    %eq3A = arith.constant 0 : i32
    %eq3A_18 = arith.cmpi eq, %arg0, %eq3A : i32
    %convert_element_type3A_19 = arith.extui %eq3A_18 : i1 to i32
    %cond3A = arith.constant 0 : i32
    %cond3A_20 = arith.cmpi ne, %convert_element_type3A_19, %cond3A : i32
    scf.if %cond3A_20 {
      %broadcast_in_dim3A_47 = arith.constant 0xFF800000 : f32
      %broadcast_in_dim3A_48 = vector.broadcast %broadcast_in_dim3A_47 : f32 to vector<64x1xf32>
      %swap3A_49 = arith.constant 0 : index
      %swap3A_50 = arith.constant 0 : index
      %swap3A_51 = vector.load %arg4[%swap3A_49, %swap3A_50] : memref<64x1xf32, #tpu.memory_space<vmem>>, vector<64x1xf32>
      tpu.vector_store %arg4[%swap3A_49, %swap3A_50], %broadcast_in_dim3A_48 {strides = array<i32>} : memref<64x1xf32, #tpu.memory_space<vmem>>, vector<64x1xf32>,
      %broadcast_in_dim3A_52 = arith.constant 0.000000e+00 : f32
      %broadcast_in_dim3A_53 = vector.broadcast %broadcast_in_dim3A_52 : f32 to vector<64x128xf32>
      %swap3A_54 = arith.constant 0 : index
      %swap3A_55 = arith.constant 0 : index
      %swap3A_56 = vector.load %arg5[%swap3A_54, %swap3A_55] : memref<64x128xf32, #tpu.memory_space<vmem>>, vector<64x128xf32>
      tpu.vector_store %arg5[%swap3A_54, %swap3A_55], %broadcast_in_dim3A_53 {strides = array<i32>} : memref<64x128xf32, #tpu.memory_space<vmem>>, vector<64x128xf32>,
    } else {
    }
    %get3A_21 = arith.constant 0 : index
    %get3A_22 = arith.constant 0 : index
    %get3A_23 = vector.load %arg4[%get3A_21, %get3A_22] : memref<64x1xf32, #tpu.memory_space<vmem>>, vector<64x1xf32>
    %reduce_max3A = arith.constant dense<0xFF800000> : vector<64xf32>
    %reduce_max3A_24 = vector.multi_reduction <maximumf>, %select_n3A, %reduce_max3A [1] : vector<64x12544xf32> to vector<64xf32>
    %broadcast_in_dim3A_25 = vector.shape_cast %reduce_max3A_24 : vector<64xf32> to vector<64x1xf32>
    %max3A = arith.maximumf %get3A_23, %broadcast_in_dim3A_25 : vector<64x1xf32>
    %sub3A = vector.broadcast %max3A : vector<64x1xf32> to vector<64x12544xf32>
    %sub3A_26 = arith.subf %select_n3A, %sub3A : vector<64x12544xf32>
    %exp3A = math.exp %sub3A_26 : vector<64x12544xf32>
    %reshape3A = vector.shape_cast %exp3A : vector<64x12544xf32> to vector<64x98x128xf32>
    %reduce_sum3A = arith.constant dense<0.000000e+00> : vector<64x128xf32>
    %reduce_sum3A_27 = vector.multi_reduction <add>, %reshape3A, %reduce_sum3A [1] : vector<64x98x128xf32> to vector<64x128xf32>
    %get3A_28 = arith.constant 0 : index
    %get3A_29 = arith.constant 0 : index
    %get3A_30 = vector.load %arg5[%get3A_28, %get3A_29] : memref<64x128xf32, #tpu.memory_space<vmem>>, vector<64x128xf32>
    %sub3A_31 = arith.subf %get3A_23, %max3A : vector<64x1xf32>
    %exp3A_32 = math.exp %sub3A_31 : vector<64x1xf32>
    %mul3A_33 = vector.broadcast %exp3A_32 : vector<64x1xf32> to vector<64x128xf32>
    %mul3A_34 = arith.mulf %get3A_30, %mul3A_33 : vector<64x128xf32>
    %add3A_35 = arith.addf %mul3A_34, %reduce_sum3A_27 : vector<64x128xf32>
    %swap3A_36 = arith.constant 0 : index
    %swap3A_37 = arith.constant 0 : index
    %swap3A_38 = vector.load %arg5[%swap3A_36, %swap3A_37] : memref<64x128xf32, #tpu.memory_space<vmem>>, vector<64x128xf32>
    tpu.vector_store %arg5[%swap3A_36, %swap3A_37], %add3A_35 {strides = array<i32>} : memref<64x128xf32, #tpu.memory_space<vmem>>, vector<64x128xf32>,
    %swap3A_39 = arith.constant 0 : index
    %swap3A_40 = arith.constant 0 : index
    %swap3A_41 = vector.load %arg4[%swap3A_39, %swap3A_40] : memref<64x1xf32, #tpu.memory_space<vmem>>, vector<64x1xf32>
    tpu.vector_store %arg4[%swap3A_39, %swap3A_40], %max3A {strides = array<i32>} : memref<64x1xf32, #tpu.memory_space<vmem>>, vector<64x1xf32>,
    %eq3A_42 = arith.constant 7 : i32
    %eq3A_43 = arith.cmpi eq, %arg0, %eq3A_42 : i32
    %convert_element_type3A_44 = arith.extui %eq3A_43 : i1 to i32
    %cond3A_45 = arith.constant 0 : i32
    %cond3A_46 = arith.cmpi ne, %convert_element_type3A_44, %cond3A_45 : i32
    scf.if %cond3A_46 {
      %get3A_47 = arith.constant 0 : index
      %get3A_48 = arith.constant 0 : index
      %get3A_49 = vector.load %arg5[%get3A_47, %get3A_48] : memref<64x128xf32, #tpu.memory_space<vmem>>, vector<64x128xf32>
      %reduce_sum3A_50 = arith.constant dense<0.000000e+00> : vector<64xf32>
      %reduce_sum3A_51 = vector.multi_reduction <add>, %get3A_49, %reduce_sum3A_50 [1] : vector<64x128xf32> to vector<64xf32>
      %broadcast_in_dim3A_52 = vector.shape_cast %reduce_sum3A_51 : vector<64xf32> to vector<64x1xf32>
      %log3A = math.log %broadcast_in_dim3A_52 : vector<64x1xf32>
      %add3A_53 = arith.addf %max3A, %log3A : vector<64x1xf32>
      %mul3A_54 = arith.constant -2.000000e+02 : f32
      %mul3A_55 = vector.broadcast %mul3A_54 : f32 to vector<64x1xf32>
      %mul3A_56 = arith.mulf %mul3A_55, %add3A_53 : vector<64x1xf32>
      %swap3A_57 = arith.constant 0 : index
      %swap3A_58 = arith.constant 0 : index
      %swap3A_59 = vector.load %arg3[%swap3A_57, %swap3A_58] : memref<64x1xf32, #tpu.memory_space<vmem>>, vector<64x1xf32>
      tpu.vector_store %arg3[%swap3A_57, %swap3A_58], %mul3A_56 {strides = array<i32>} : memref<64x1xf32, #tpu.memory_space<vmem>>, vector<64x1xf32>,
    } else {
    }
    return
  }
  func.func @transform_0(%arg0: i32) -> (i32, i32) {
    %c0_i32 = arith.constant 0 : i32
    %c0_i32_0 = arith.constant 0 : i32
    return %c0_i32, %arg0 : i32, i32
  }
  func.func @transform_1(%arg0: i32) -> (i32, i32) {
    %c0_i32 = arith.constant 0 : i32
    %c0_i32_0 = arith.constant 0 : i32
    return %arg0, %c0_i32 : i32, i32
  }
  func.func @transform_2(%arg0: i32) -> (i32, i32) {
    %c0_i32 = arith.constant 0 : i32
    %c0_i32_0 = arith.constant 0 : i32
    %c0_i32_1 = arith.constant 0 : i32
    return %c0_i32, %c0_i32_0 : i32, i32
  }
}

</mosaic_0001>

<sc_bundles>
// kernel: kernel.4.cloned.1.call-start
scs
__scs_entry_jumppad:
0x0: {  	(pc) =	sbr.rel $0x88, $3  }
0x1: {  	(tag) =	ssettag $0x0;
	lr =	simm.s32 $0x1  }
0x2: {  	[smem:$0x3F9F] =	sst lr;
	_ =	strace $0xD0000000  }
0x3: {  	_ = 	snop  }
0x4: {  	_ = 	snop  }
0x5: {  	_ = 	snop  }
0x6: {  	_ = 	snop  }
0x7: {  	_ = 	snop  }
__scs_overlays_trampoline_lowered:
0x8: {  	[smem:$0x3FAE] =	sst s0  }
0x9: {  	[smem:$0x3FAF] =	sst s1  }
0xa: {  	[smem:$0x3FB0] =	sst s2  }
0xb: {  	[smem:$0x3FB1] =	sst s3  }
0xc: {  	[smem:$0x3FB2] =	sst s4  }
0xd: {  	[smem:$0x3FB3] =	sst s5  }
0xe: {  	[smem:$0x3FB4] =	sst s6  }
0xf: {  	[smem:$0x3FB5] =	sst s7  }
0x10: {  	[smem:$0x3FB6] =	sst s8  }
0x11: {  	[smem:$0x3FB7] =	sst s9;
	s0 =	simm.s32 @!p0 $0x0  }
0x12: {  	s1 =	sld [smem:$0x3F9D];
	s0 =	simm.s32 @p0 $0x1  }
0x13: {  	[smem:$0x3FB8] =	sst s0;
	s0 =	simm.s32 @!p1 $0x0  }
0x14: {  	s2 =	sld [smem:$0x3F9C];
	s0 =	simm.s32 @p1 $0x1  }
0x15: {  	[smem:$0x3FB9] =	sst s0;
	s0 =	simm.s32 @!p2 $0x0  }
0x16: {  	s3 =	sld [smem:$0x3FDB];
	s0 =	simm.s32 @p2 $0x1  }
0x17: {  	s4 =	simm.s32 $0x1BF5;
	[smem:$0x3FBB] =	sst s0  }
0x18: {  	s0 =	sld [smem:$0x3F9E];
	_ =	swait.ge [sflag:s4], $0x0  }
0x19: {  	s7 =	sld [smem:$0x3F9F]  }
0x1a: {  	s8 =	sadd.s32 $0xFFFFE003, lr  }
0x1b: {  	s9 =	sadd.s32 $0xFFFFFEF7, lr;
	s5 =	simm.s32 $0xFFFFFFFF;
	p2 =	slt.u32 s8, $0xFFFFF086  }
0x1c: {  	p1 =	slt.u32 s9, $0xF7A;
	s5 =	simm.s32 @!p2 $0x0  }
0x1d: {  	s5 =	simm.s32 @p1 $0x1;
	p0 =	seq.s32 s7, s2  }
0x1e: {  	s7 =	smul.u32 @!p0 $0xF7A, s2;
	p2 =	seq.s32 @!p0 s5, $0x0  }
0x1f: {  	s9 =	smul.u32 $0xF7A, s1;
	s8 =	simm.s32 @!p0 $0x1BF5;
	p2 =	por !p2, p0  }
0x20: {  	[sflag:s8] =	ssyncset.s32 @!p0 $0xFFFFF086;
	s6 =	sadd.s32 @!p0 s3, s7;
	s7 =	simm.s32 @!p0 $0x108  }
0x21: {  	s3 =	sadd.s32 s3, s9;
	s6 =	sadd.s32 @!p0 $0x88, s6;
	s7 =	simm.s32 @p2 $0x1082  }
0x22: {  	[simem:s7], [sflag:s8] =	dma.local @!p0 [hbm:s6], $0xF7A  }
0x23: {  	s9 =	sor.u32 $0xD0000000, s2;
	s6 =	simm.s32 $0x108;
	_ =	swait.ge @!p0 [sflag:s8], $0x0  }
0x24: {  	s3 =	sadd.s32 $0x88, s3;
	s6 =	simm.s32 @!p1 $0x1082;
	[sflag:s4] =	ssyncset.s32 $0xFFFFF086  }
0x25: {  	[simem:s6], [sflag:s4] =	dma.local [hbm:s3], $0xF7A  }
0x26: {  	[smem:$0x3F9F] =	sst s1;
	(tag) =	ssettag s2;
	_ =	strace s9  }
0x27: {  	s1 =	sld [smem:$0x3FAF]  }
0x28: {  	s2 =	sld [smem:$0x3FB0]  }
0x29: {  	s4 =	sld [smem:$0x3FB2]  }
0x2a: {  	p0 =	seq.s32 s5, $0x0;
	s5 =	sld [smem:$0x3FB3]  }
0x2b: {  	s6 =	sld [smem:$0x3FB4]  }
0x2c: {  	s7 =	sld [smem:$0x3FB5]  }
0x2d: {  	s3 =	simm.s32 $0x108;
	s8 =	sld [smem:$0x3FB6]  }
0x2e: {  	s3 =	simm.s32 @!p0 $0x1082;
	s9 =	sld [smem:$0x3FB7]  }
0x2f: {  	lr =	sadd.s32 s0, s3;
	s0 =	sld [smem:$0x3FAE]  }
0x30: {  	s3 =	sld [smem:$0x3FB1]  }
0x31: {  	[smem:$0x3FBA] =	sst s10  }
0x32: {  	s10 =	sld [smem:$0x3FB8];
	_ =	sdelay $0x3  }
0x33: {  	p0 =	seq.s32 s10, $0x1;
	s10 =	sld [smem:$0x3FBA];
	_ =	sdelay $0x3  }
0x34: {  	[smem:$0x3FBA] =	sst s10  }
0x35: {  	s10 =	sld [smem:$0x3FB9];
	_ =	sdelay $0x3  }
0x36: {  	p1 =	seq.s32 s10, $0x1;
	s10 =	sld [smem:$0x3FBA];
	_ =	sdelay $0x3  }
0x37: {  	[smem:$0x3FBA] =	sst s10  }
0x38: {  	s10 =	sld [smem:$0x3FBB]  }
0x39: {  	_ = 	snop;
	(pc) =	sbr.ind lr, $3  }
0x3a: {  	_ = 	snop  }
0x3b: {  	_ = 	snop  }
0x3c: {  	p2 =	seq.s32 s10, $0x1;
	s10 =	sld [smem:$0x3FBA]  }
0x3d: {  	_ =	shalt  }
0x3e: {  	_ =	shalt  }
0x3f: {  	_ =	shalt  }
0x40: {  	_ =	shalt  }
0x41: {  	_ =	shalt  }
0x42: {  	_ =	shalt  }
0x43: {  	_ =	shalt  }
0x44: {  	_ =	shalt  }
0x45: {  	_ =	shalt  }
0x46: {  	_ =	shalt  }
0x47: {  	_ =	shalt  }
0x48: {  	_ =	shalt  }
0x49: {  	_ =	shalt  }
0x4a: {  	_ =	shalt  }
0x4b: {  	_ =	shalt  }
0x4c: {  	_ =	shalt  }
0x4d: {  	_ =	shalt  }
0x4e: {  	_ =	shalt  }
0x4f: {  	_ =	shalt  }
0x50: {  	_ =	shalt  }
0x51: {  	_ =	shalt  }
0x52: {  	_ =	shalt  }
0x53: {  	_ =	shalt  }
0x54: {  	_ =	shalt  }
0x55: {  	_ =	shalt  }
0x56: {  	_ =	shalt  }
0x57: {  	_ =	shalt  }
0x58: {  	_ =	shalt  }
0x59: {  	_ =	shalt  }
0x5a: {  	_ =	shalt  }
0x5b: {  	_ =	shalt  }
0x5c: {  	_ =	shalt  }
0x5d: {  	_ =	shalt  }
0x5e: {  	_ =	shalt  }
0x5f: {  	_ =	shalt  }
0x60: {  	_ =	shalt  }
0x61: {  	_ =	shalt  }
0x62: {  	_ =	shalt  }
0x63: {  	_ =	shalt  }
0x64: {  	_ =	shalt  }
0x65: {  	_ =	shalt  }
0x66: {  	_ =	shalt  }
0x67: {  	_ =	shalt  }
0x68: {  	_ =	shalt  }
0x69: {  	_ =	shalt  }
0x6a: {  	_ =	shalt  }
0x6b: {  	_ =	shalt  }
0x6c: {  	_ =	shalt  }
0x6d: {  	_ =	shalt  }
0x6e: {  	_ =	shalt  }
0x6f: {  	_ =	shalt  }
0x70: {  	_ =	shalt  }
0x71: {  	_ =	shalt  }
0x72: {  	_ =	shalt  }
0x73: {  	_ =	shalt  }
0x74: {  	_ =	shalt  }
0x75: {  	_ =	shalt  }
0x76: {  	_ =	shalt  }
0x77: {  	_ =	shalt  }
0x78: {  	_ =	shalt  }
0x79: {  	_ =	shalt  }
0x7a: {  	_ =	shalt  }
0x7b: {  	_ =	shalt  }
0x7c: {  	_ =	shalt  }
0x7d: {  	_ =	shalt  }
0x7e: {  	_ =	shalt  }
0x7f: {  	_ =	shalt  }
0x80: {  	_ =	shalt  }
0x81: {  	_ =	shalt  }
0x82: {  	_ =	shalt  }
0x83: {  	_ =	shalt  }
0x84: {  	_ =	shalt  }
0x85: {  	_ =	shalt  }
0x86: {  	_ =	shalt  }
0x87: {  	_ =	shalt  }
.Lfunc_end0:
.L_simem_size_0:
called_computation_lowered:
.L_overlay_start_0:
0x88: {  	s2 =	sld [smem:$0x3FD9]  }
0x89: {  	s3 =	sld [smem:$0x3FFE];
	_ =	sdelay $0x1  }
0x8a: {  	s1 =	srdreg.scid  }
0x8b: {  	s0 =	sand.u32 $0x1, s1  }
0x8c: {  	s17 =	sshll.u32 s0, $0xA;
	s2 =	sadd.s32 s3, s2  }
0x8d: {  	s2 =	sadd.s32 s2, s17  }
0x8e: {  	[smem:$0x3FC6] =	sst s2  }
0x8f: {  	_ = 	snop  }
0x90: {  	s2 =	sld [smem:$0x3FD0];
	(tm) =	ssettm $0x1  }
0x91: {  	s18 =	sld [smem:$0x3FFB];
	_ =	sdelay $0x3  }
0x92: {  	_ =	strace s18  }
0x93: {  	s3 =	sld [smem:$0x3FFC];
	_ =	sdelay $0x3  }
0x94: {  	_ =	strace s3  }
0x95: {  	s3 =	sld [smem:$0x3FFD];
	_ =	sdelay $0x3  }
0x96: {  	_ =	strace s3  }
0x97: {  	_ =	strace $0x8FFFFFFF  }
0x98: {  	s19 =	sld [smem:$0x3FDB];
	_ =	sdelay $0x1  }
0x99: {  	s4 =	simm.s32 $_scs_section_size  }
0x9a: {  	s5 =	simm.s32 $_size__tile_overlayer_lowered;
	s6 =	simm.s32 $_tile_overlayer_lowered  }
0x9b: {  	s22 =	simm.s32 $0x1BFF;
	s21 =	sshll.u32 s6, $0x1;
	s3 =	sadd.s32 s4, s19  }
0x9c: {  	s7 =	simm.s32 $0x0;
	s20 =	sshll.u32 s5, $0x1;
	s5 =	sadd.s32 s21, s3  }
0x9d: {  	[timem:s7], [sflag:s22] =	dma.local [hbm:s5], s20  }
0x9e: {  	_ =	swait.ge [sflag:s22], s20  }
0x9f: {  	s4 =	ssub.s32 $0x0, s20;
	[sflag:s22] =	ssyncset.done $0x0  }
0xa0: {  	[sflag:s22] =	ssyncadd.s32 s4;
	_ =	sdelay $0x1  }
0xa1: {  	s23 =	simm.s32 $0x1B8B  }
0xa2: {  	_ =	swait.ge [sflag:s23], $0x1  }
0xa3: {  	[sflag:s23] =	ssyncset.done $0x0  }
0xa4: {  	s25 =	simm.s32 $0x1B8E;
	s24 =	sld [smem:$0x3FFE];
	[sflag:s23] =	ssyncadd.s32 $0xFFFFFFFF  }
0xa5: {  	s26 =	simm.s32 $execute0_lowered;
	[smem:$0x3FD2] =	sst s25  }
0xa6: {  	s5 =	sshll.u32 s26, $0x1;
	_ =	strace $0x80000046;
	[dreg:$0x1] =	wrdreg $0xFFFFFFFF  }
0xa7: {  	s28 =	simm.s32 $_size_execute0_lowered;
	s3 =	sadd.s32 s3, s5;
	[dreg:$0x0] =	wrdreg $0x0  }
0xa8: {  	s5 =	sshll.u32 s28, $0x1;
	[dreg:$0x2] =	wrdreg s3  }
0xa9: {  	[dreg:$0x3] =	wrdreg s5  }
0xaa: {  	[dreg:$0x4] =	wrdreg $0xC0  }
0xab: {  	_ =	task [dreg:s7], $0x5FFFF  }
0xac: {  	[dreg:$0x1] =	wrdreg $0xFFFFFFFF  }
0xad: {  	[dreg:$0x0] =	wrdreg $0x60  }
0xae: {  	[dreg:$0x2] =	wrdreg s24  }
0xaf: {  	[dreg:$0x3] =	wrdreg s2  }
0xb0: {  	[dreg:$0x4] =	wrdreg $0x9  }
0xb1: {  	_ =	task.clear_ibuf [dreg:s7], $0x5FFFF;
	_ =	strace $0x90000046  }
0xb2: {  	s29 =	simm.s32 $0x9;
	_ =	strace $0x80000048  }
0xb3: {  	_ =	swait.ge [sflag:s29], $0x1  }
0xb4: {  	[sflag:s29] =	ssyncadd.s32 $0xFFFFFFFF  }
0xb5: {  	_ =	strace $0x90000048  }
0xb6: {  	_ =	sfence  }
0xb7: {  	s30 =	sld [smem:$0x0];
	_ =	sdelay $0x2  }
0xb8: {  	s31 =	sshll.u32 s1, $0xD;
	s1 =	sshrl.u32 s1, $0x2  }
0xb9: {  	s3 =	sand.u32 $0x4000, s31;
	s1 =	sadd.s32 s1, s30  }
0xba: {  	s0 =	sor.u32 s3, s0;
	s1 =	sshll.u32 s1, $0x11  }
0xbb: {  	s0 =	sor.u32 s1, s0  }
0xbc: {  	s0 =	sadd.s32 $0x8F2B, s0  }
0xbd: {  	[sflag:s0] =	ssyncadd.remote.s32 $0x1  }
0xbe: {  	_ =	sfence.sel $0xFFFF  }
0xbf: {  	[dreg:$0x0] =	wrdreg $0xFFFFFFFF;
	(pc) =	sbr.abs _section_cstart, $3  }
0xc0: {  	[dreg:$0x1] =	wrdreg $0xFFFFFFFF  }
0xc1: {  	_ =	task.clear_ibuf [dreg:s7], $0x2FFFF;
	_ =	strace $0x9FFFFFFF  }
0xc2: {  	(tm) =	ssettm $0x7FFFFFFF  }
0xc3: {  	_ =	shalt  }
tec
execute0_lowered:
.L_overlay_start_1:
0x0: {  	(tag) =	ssettag $0x1  }
0x1: {  	s0 =	rddreg [dreg:$0x0];
	s1 =	srdreg.scid  }
0x2: {  	s2 =	stileid.u32;
	s6 =	rddreg [dreg:$0x1]  }
0x3: {  	s10 =	simm.s32 $0x50;
	s11 =	simm.s32 $0x6400;
	s12 =	simm.s32 $0x6E00  }
0x4: {  	s13 =	simm.s32 $0xA0;
	s14 =	simm.s32 $0x7800;
	s15 =	simm.s32 $0xF0  }
0x5: {  	s16 =	simm.s32 $0x8200;
	s17 =	simm.s32 $0x140;
	s18 =	simm.s32 $0x8C00  }
0x6: {  	s19 =	simm.s32 $0x9600;
	s20 =	simm.s32 $0xA000;
	s21 =	simm.s32 $0xAA00  }
0x7: {  	s22 =	simm.s32 $0xB400;
	s23 =	simm.s32 $0xBE00;
	s24 =	simm.s32 $0x1  }
0x8: {  	s25 =	simm.s32 $0x2;
	s26 =	simm.s32 $0xC800;
	s28 =	simm.s32 $0x0  }
0x9: {  	s1 =	sand.u32 $0x1, s1;
	s3 =	sshll.u32 s2, $0x1;
	s2 =	simm.s32 $0x0  }
0xa: {  	s5 =	sor.u32 s1, s3;
	[smem:$0x7FF] =	sst s2;
	s3 =	sadd.s32 $0x19200, s0  }
0xb: {  	s1 =	ssub.s32 $0x2, s1;
	s4 =	smul.u32 $0xC80, s5;
	s8 =	sshll.u32 s5, $0xA  }
0xc: {  	_ =	strace $0x80000047;
	s31 =	sshrl.u32 s1, $0x1;
	s6 =	sadd.s32 s6, s8  }
0xd: {  	s7 =	sadd.s32 s4, s0;
	s4 =	sadd.s32 $0x19FC00, s0;
	s0 =	ssub.s32 s1, s31  }
0xe: {  	s8 =	simm.s32 $0x3;
	s5 =	sadd.s32 $0x200, s7;
	s7 =	smax.u32 s0, $0x1  }
.LBB2_1:
0xf: {  	[tilespmem:s2], [sflag:$0x3] =	stream.linear.gather [hbm4b:s5+s2], $0x6400, $0x38;
	[tilespmem:$0xE840] =	vst v63  }
0x10: {  	_ =	swait.ge [sflag:s8], $0x6400  }
0x11: {  	[sflag:s8] =	ssyncset.done $0x0  }
0x12: {  	s0 =	simm.s32 $0xE800;
	[sflag:s8] =	ssyncadd.s32 $0xFFFF9C00  }
0x13: {  	[tilespmem:s0], [sflag:$0x3] =	stream.linear.gather [hbm4b:s4+s2], $0x40, $0x38;
	[tilespmem:$0xE840] =	vst v63  }
0x14: {  	_ =	swait.ge [sflag:s8], $0x40  }
0x15: {  	[sflag:s8] =	ssyncset.done $0x0  }
0x16: {  	[sflag:s8] =	ssyncadd.s32 $0xFFFFFFC0  }
0x17: {  	v0 =	vld [tilespmem:$0xE800]  }
0x18: {  	v1 =	vld [tilespmem:$0xE810]  }
0x19: {  	v2 =	vld [tilespmem:$0xE820]  }
0x1a: {  	v3 =	vld [tilespmem:$0xE830];
	[tilespmem:s11], [sflag:$0x1] =	stream.indirect.gather [hbm4b:s3+s10], $0x20, s2, s10, $0xb8  }
0x1b: {  	_ = 	snop  }
0x1c: {  	[tilespmem:s12], [sflag:$0x1] =	stream.indirect.gather [hbm4b:s3+s10], $0x20, s10, s10, $0xb8;
	[tilespmem:$0xE840] =	vst v63  }
0x1d: {  	_ = 	snop  }
0x1e: {  	[tilespmem:s14], [sflag:$0x1] =	stream.indirect.gather [hbm4b:s3+s10], $0x20, s13, s10, $0xb8;
	[tilespmem:$0xE840] =	vst v63  }
0x1f: {  	_ = 	snop  }
0x20: {  	[tilespmem:s16], [sflag:$0x1] =	stream.indirect.gather [hbm4b:s3+s10], $0x20, s15, s10, $0xb8;
	[tilespmem:$0xE840] =	vst v63  }
0x21: {  	s29 =	simm.s32 $0x0  }
0x22: {  	[tilespmem:s18], [sflag:$0x1] =	stream.indirect.gather [hbm4b:s3+s10], $0x20, s17, s10, $0xb8;
	[tilespmem:$0xE840] =	vst v63  }
.LBB2_2:
0x23: {  	s30 =	sshllo.u32 s29, $0x1  }
0x24: {  	s0 =	smul.u32 $0x640, s30;
	_ =	sdelay $0x1  }
0x25: {  	s0 =	sshra.s32 s0, $0x2  }
0x26: {  	[tilespmem:s19], [sflag:$0x2] =	stream.indirect.gather [hbm4b:s3+s10], $0x20, s0, s10, $0xb8;
	[tilespmem:$0xE840] =	vst v63  }
0x27: {  	s1 =	sadd.s32 $0x50, s0  }
0x28: {  	[tilespmem:s20], [sflag:$0x2] =	stream.indirect.gather [hbm4b:s3+s10], $0x20, s1, s10, $0xb8;
	[tilespmem:$0xE840] =	vst v63  }
0x29: {  	s9 =	sadd.s32 $0xA0, s0  }
0x2a: {  	[tilespmem:s21], [sflag:$0x2] =	stream.indirect.gather [hbm4b:s3+s10], $0x20, s9, s10, $0xb8;
	[tilespmem:$0xE840] =	vst v63  }
0x2b: {  	s9 =	sadd.s32 $0xF0, s0  }
0x2c: {  	[tilespmem:s22], [sflag:$0x2] =	stream.indirect.gather [hbm4b:s3+s10], $0x20, s9, s10, $0xb8;
	[tilespmem:$0xE840] =	vst v63  }
0x2d: {  	s0 =	sadd.s32 $0x140, s0  }
0x2e: {  	[tilespmem:s23], [sflag:$0x2] =	stream.indirect.gather [hbm4b:s3+s10], $0x20, s0, s10, $0xb8;
	[tilespmem:$0xE840] =	vst v63  }
0x2f: {  	_ =	swait.ge [sflag:s24], $0x3200  }
0x30: {  	[sflag:s24] =	ssyncset.done $0x0  }
0x31: {  	s9 =	simm.s32 $0x0;
	[sflag:s24] =	ssyncadd.s32 $0xFFFFCE00  }
0x32: {  	v4 =	vld [tilespmem:s9+$0x6400]  }
0x33: {  	v5 =	vld [tilespmem:s9+$0x6410]  }
0x34: {  	v6 =	vld [tilespmem:s9+$0x6420]  }
0x35: {  	v7 =	vld [tilespmem:s9+$0x6430]  }
0x36: {  	v8 =	vld [tilespmem:s9+$0x6440]  }
0x37: {  	v10 =	vld [tilespmem:s9+$0x6450];
	v9 =	vshll.u32 v4, $0x10  }
0x38: {  	v12 =	vld [tilespmem:s9+$0x6460];
	v11 =	vshll.u32 v5, $0x10;
	v4 =	vadd.f32 v4, v2;
	v5 =	vadd.f32 v5, v3  }
0x39: {  	v14 =	vld [tilespmem:s9+$0x6470];
	v13 =	vshll.u32 v6, $0x10;
	v9 =	vadd.f32 v9, v0;
	v11 =	vadd.f32 v11, v1  }
0x3a: {  	v16 =	vld [tilespmem:s9+$0x6480];
	v15 =	vshll.u32 v7, $0x10;
	v4 =	vadd.f32 v6, v4;
	v5 =	vadd.f32 v7, v5  }
0x3b: {  	v9 =	vadd.f32 v13, v9;
	v11 =	vadd.f32 v15, v11;
	v15 =	vld [tilespmem:s9+$0x6490]  }
0x3c: {  	v7 =	vshll.u32 v10, $0x10;
	v6 =	vld [tilespmem:s9+$0x64A0];
	v13 =	vshll.u32 v8, $0x10;
	v4 =	vadd.f32 v8, v4  }
0x3d: {  	v17 =	vshll.u32 v12, $0x10;
	v13 =	vadd.f32 v13, v9;
	v11 =	vadd.f32 v7, v11;
	v9 =	vld [tilespmem:s9+$0x64B0]  }
0x3e: {  	v5 =	vadd.f32 v10, v5;
	v8 =	vshll.u32 v14, $0x10;
	v7 =	vld [tilespmem:s9+$0x64C0];
	v12 =	vadd.f32 v12, v4  }
0x3f: {  	v10 =	vld [tilespmem:s9+$0x64D0];
	v13 =	vadd.f32 v17, v13;
	v8 =	vadd.f32 v8, v11  }
0x40: {  	v14 =	vadd.f32 v14, v5;
	v4 =	vld [tilespmem:s9+$0x64E0];
	v11 =	vshll.u32 v16, $0x10;
	v5 =	vshll.u32 v15, $0x10  }
0x41: {  	s31 =	simm.s32 $0x100;
	v19 =	vshll.u32 v6, $0x10;
	v17 =	vadd.f32 v11, v13;
	v18 =	vadd.f32 v5, v8;
	v11 =	vld [tilespmem:s9+$0x64F0]  }
0x42: {  	v5 =	vld [tilespmem:s31+$0x6400];
	v13 =	vadd.f32 v16, v12;
	v12 =	vadd.f32 v15, v14;
	v14 =	vshll.u32 v9, $0x10  }
0x43: {  	s1 =	simm.s32 $0x800;
	v8 =	vld [tilespmem:s31+$0x6410];
	v16 =	vshll.u32 v7, $0x10;
	v15 =	vadd.f32 v19, v17;
	v14 =	vadd.f32 v14, v18  }
.LBB2_3:
0x44: {  	p0 =	sne.s32 s1, $0x6000;
	v17 =	vld [tilespmem:s31+$0x6420];
	v6 =	vadd.f32 v6, v13;
	v9 =	vadd.f32 v9, v12;
	v12 =	vshll.u32 v10, $0x10  }
0x45: {  	v13 =	vld [tilespmem:s31+$0x6430];
	v15 =	vadd.f32 v16, v15;
	v12 =	vadd.f32 v12, v14;
	v14 =	vshll.u32 v4, $0x10  }
0x46: {  	v16 =	vld [tilespmem:s31+$0x6440];
	v6 =	vadd.f32 v7, v6;
	v7 =	vadd.f32 v10, v9;
	v9 =	vshll.u32 v11, $0x10  }
0x47: {  	v10 =	vshll.u32 v5, $0x10;
	v18 =	vld [tilespmem:s31+$0x6450];
	v14 =	vadd.f32 v14, v15;
	v9 =	vadd.f32 v9, v12  }
0x48: {  	v12 =	vshll.u32 v8, $0x10;
	v15 =	vld [tilespmem:s31+$0x6460];
	v4 =	vadd.f32 v4, v6;
	v6 =	vadd.f32 v11, v7  }
0x49: {  	v7 =	vadd.f32 v10, v14;
	v9 =	vadd.f32 v12, v9;
	v10 =	vshll.u32 v17, $0x10;
	v11 =	vld [tilespmem:s31+$0x6470]  }
0x4a: {  	v4 =	vadd.f32 v5, v4;
	v5 =	vadd.f32 v8, v6;
	v6 =	vshll.u32 v13, $0x10;
	v8 =	vld [tilespmem:s31+$0x6480]  }
0x4b: {  	v7 =	vadd.f32 v10, v7;
	v9 =	vadd.f32 v6, v9;
	v10 =	vshll.u32 v16, $0x10;
	v12 =	vld [tilespmem:s31+$0x6490]  }
0x4c: {  	v4 =	vadd.f32 v17, v4;
	v5 =	vadd.f32 v13, v5;
	v13 =	vshll.u32 v18, $0x10;
	v6 =	vld [tilespmem:s31+$0x64A0]  }
0x4d: {  	v10 =	vadd.f32 v10, v7;
	v13 =	vadd.f32 v13, v9;
	v14 =	vshll.u32 v15, $0x10;
	v9 =	vld [tilespmem:s31+$0x64B0]  }
0x4e: {  	v4 =	vadd.f32 v16, v4;
	v5 =	vadd.f32 v18, v5;
	v16 =	vshll.u32 v11, $0x10;
	v7 =	vld [tilespmem:s31+$0x64C0]  }
.Ltmp0:
0x4f: {  	v14 =	vadd.f32 v14, v10;
	v13 =	vadd.f32 v16, v13;
	v16 =	vshll.u32 v8, $0x10;
	v10 =	vld [tilespmem:s31+$0x64D0];
	(pc) =	sbr.rel @p0 .LBB2_3-.Ltmp0, $4  }
0x50: {  	v15 =	vadd.f32 v15, v4;
	v17 =	vadd.f32 v11, v5;
	v5 =	vshll.u32 v12, $0x10;
	v4 =	vld [tilespmem:s31+$0x64E0]  }
0x51: {  	v14 =	vadd.f32 v16, v14;
	v16 =	vadd.f32 v5, v13;
	v18 =	vshll.u32 v6, $0x10;
	v11 =	vld [tilespmem:s31+$0x64F0];
	s31 =	sshra.s32 s1, $0x2  }
0x52: {  	v5 =	vld [tilespmem:s31+$0x6400];
	v13 =	vadd.f32 v8, v15;
	v12 =	vadd.f32 v12, v17;
	v17 =	vshll.u32 v9, $0x10  }
0x53: {  	s1 =	sadd.s32 $0x400, s1;
	v8 =	vld [tilespmem:s31+$0x6410];
	v15 =	vadd.f32 v18, v14;
	v14 =	vadd.f32 v17, v16;
	v16 =	vshll.u32 v7, $0x10  }
0x54: {  	_ = 	snop  }
0x55: {  	v17 =	vld [tilespmem:s31+$0x6420];
	v6 =	vadd.f32 v6, v13;
	v13 =	vshll.u32 v10, $0x10;
	v15 =	vadd.f32 v16, v15  }
0x56: {  	v9 =	vadd.f32 v9, v12;
	v12 =	vld [tilespmem:s31+$0x6430];
	v13 =	vadd.f32 v13, v14;
	v14 =	vshll.u32 v4, $0x10  }
0x57: {  	v16 =	vld [tilespmem:s31+$0x6440];
	v6 =	vadd.f32 v7, v6;
	v7 =	vshll.u32 v11, $0x10;
	v14 =	vadd.f32 v14, v15  }
0x58: {  	v9 =	vadd.f32 v10, v9;
	v10 =	vshll.u32 v5, $0x10;
	v15 =	vld [tilespmem:s31+$0x6450];
	v7 =	vadd.f32 v7, v13  }
0x59: {  	v18 =	vld [tilespmem:s31+$0x6460];
	v13 =	vshll.u32 v8, $0x10;
	v4 =	vadd.f32 v4, v6;
	v6 =	vadd.f32 v10, v14  }
0x5a: {  	v9 =	vadd.f32 v11, v9;
	v11 =	vld [tilespmem:s31+$0x6470];
	v7 =	vadd.f32 v13, v7;
	v10 =	vshll.u32 v17, $0x10  }
0x5b: {  	v13 =	vld [tilespmem:s31+$0x6480];
	v4 =	vadd.f32 v5, v4;
	v5 =	vshll.u32 v12, $0x10;
	v6 =	vadd.f32 v10, v6  }
0x5c: {  	v8 =	vadd.f32 v8, v9;
	v9 =	vld [tilespmem:s31+$0x6490];
	v5 =	vadd.f32 v5, v7;
	v7 =	vshll.u32 v16, $0x10  }
0x5d: {  	v14 =	vld [tilespmem:s31+$0x64A0];
	v4 =	vadd.f32 v17, v4;
	v10 =	vshll.u32 v15, $0x10;
	v6 =	vadd.f32 v7, v6  }
0x5e: {  	v7 =	vadd.f32 v12, v8;
	v5 =	vadd.f32 v10, v5;
	v8 =	vshll.u32 v18, $0x10;
	v10 =	vld [tilespmem:s31+$0x64B0]  }
0x5f: {  	v12 =	vshll.u32 v11, $0x10;
	v4 =	vadd.f32 v16, v4;
	v16 =	vld [tilespmem:s31+$0x64C0];
	v6 =	vadd.f32 v8, v6  }
0x60: {  	v7 =	vadd.f32 v15, v7;
	v5 =	vadd.f32 v12, v5;
	v8 =	vshll.u32 v13, $0x10;
	v12 =	vld [tilespmem:s31+$0x64D0]  }
0x61: {  	v17 =	vld [tilespmem:s31+$0x64E0];
	v15 =	vshll.u32 v9, $0x10;
	v4 =	vadd.f32 v18, v4;
	v6 =	vadd.f32 v8, v6  }
0x62: {  	v7 =	vadd.f32 v11, v7;
	v5 =	vadd.f32 v15, v5;
	v8 =	vshll.u32 v14, $0x10;
	v11 =	vld [tilespmem:s31+$0x64F0]  }
0x63: {  	v4 =	vadd.f32 v13, v4;
	v13 =	vshll.u32 v10, $0x10;
	v6 =	vadd.f32 v8, v6  }
0x64: {  	v7 =	vadd.f32 v9, v7;
	v5 =	vadd.f32 v13, v5;
	v8 =	vshll.u32 v16, $0x10  }
0x65: {  	v4 =	vadd.f32 v14, v4;
	v9 =	vshll.u32 v12, $0x10;
	v6 =	vadd.f32 v8, v6  }
0x66: {  	v7 =	vadd.f32 v10, v7;
	v5 =	vadd.f32 v9, v5;
	v8 =	vshll.u32 v17, $0x10  }
0x67: {  	s0 =	sshll.u32 s29, $0x8;
	v4 =	vadd.f32 v16, v4;
	v9 =	vshll.u32 v11, $0x10;
	v6 =	vadd.f32 v8, v6  }
0x68: {  	s31 =	sand.u32 $0x3FFFFF00, s0;
	v7 =	vadd.f32 v12, v7;
	v5 =	vadd.f32 v9, v5  }
0x69: {  	v4 =	vadd.f32 v17, v4;
	[tilespmem:s31+$0xC800] =	vst v6  }
0x6a: {  	v6 =	vadd.f32 v11, v7;
	[tilespmem:s31+$0xC810] =	vst v5  }
0x6b: {  	[tilespmem:s31+$0xC820] =	vst v4  }
0x6c: {  	s9 =	simm.s32 $0x0;
	[tilespmem:s31+$0xC830] =	vst v6  }
0x6d: {  	v4 =	vld [tilespmem:s9+$0x7D00]  }
0x6e: {  	v5 =	vld [tilespmem:s9+$0x7D10]  }
0x6f: {  	v6 =	vld [tilespmem:s9+$0x7D20]  }
0x70: {  	v7 =	vld [tilespmem:s9+$0x7D30]  }
0x71: {  	v8 =	vld [tilespmem:s9+$0x7D40]  }
0x72: {  	v10 =	vld [tilespmem:s9+$0x7D50];
	v9 =	vshll.u32 v4, $0x10  }
0x73: {  	v12 =	vld [tilespmem:s9+$0x7D60];
	v11 =	vshll.u32 v5, $0x10;
	v4 =	vadd.f32 v4, v2;
	v5 =	vadd.f32 v5, v3  }
0x74: {  	v14 =	vld [tilespmem:s9+$0x7D70];
	v13 =	vshll.u32 v6, $0x10;
	v9 =	vadd.f32 v9, v0;
	v11 =	vadd.f32 v11, v1  }
0x75: {  	v16 =	vld [tilespmem:s9+$0x7D80];
	v15 =	vshll.u32 v7, $0x10;
	v4 =	vadd.f32 v6, v4;
	v5 =	vadd.f32 v7, v5  }
0x76: {  	v9 =	vadd.f32 v13, v9;
	v11 =	vadd.f32 v15, v11;
	v15 =	vld [tilespmem:s9+$0x7D90]  }
0x77: {  	v7 =	vshll.u32 v10, $0x10;
	v6 =	vld [tilespmem:s9+$0x7DA0];
	v13 =	vshll.u32 v8, $0x10;
	v4 =	vadd.f32 v8, v4  }
0x78: {  	v17 =	vshll.u32 v12, $0x10;
	v13 =	vadd.f32 v13, v9;
	v11 =	vadd.f32 v7, v11;
	v9 =	vld [tilespmem:s9+$0x7DB0]  }
0x79: {  	v5 =	vadd.f32 v10, v5;
	v8 =	vshll.u32 v14, $0x10;
	v7 =	vld [tilespmem:s9+$0x7DC0];
	v12 =	vadd.f32 v12, v4  }
0x7a: {  	v10 =	vld [tilespmem:s9+$0x7DD0];
	v13 =	vadd.f32 v17, v13;
	v8 =	vadd.f32 v8, v11  }
0x7b: {  	v14 =	vadd.f32 v14, v5;
	v4 =	vld [tilespmem:s9+$0x7DE0];
	v11 =	vshll.u32 v16, $0x10;
	v5 =	vshll.u32 v15, $0x10  }
0x7c: {  	s1 =	simm.s32 $0x100;
	v19 =	vshll.u32 v6, $0x10;
	v17 =	vadd.f32 v11, v13;
	v18 =	vadd.f32 v5, v8;
	v11 =	vld [tilespmem:s9+$0x7DF0]  }
0x7d: {  	v5 =	vld [tilespmem:s1+$0x7D00];
	v13 =	vadd.f32 v16, v12;
	v12 =	vadd.f32 v15, v14;
	v14 =	vshll.u32 v9, $0x10  }
0x7e: {  	s0 =	simm.s32 $0x800;
	v8 =	vld [tilespmem:s1+$0x7D10];
	v16 =	vshll.u32 v7, $0x10;
	v15 =	vadd.f32 v19, v17;
	v14 =	vadd.f32 v14, v18  }
.LBB2_5:
0x7f: {  	p0 =	sne.s32 s0, $0x6000;
	v17 =	vld [tilespmem:s1+$0x7D20];
	v6 =	vadd.f32 v6, v13;
	v9 =	vadd.f32 v9, v12;
	v12 =	vshll.u32 v10, $0x10  }
0x80: {  	v13 =	vld [tilespmem:s1+$0x7D30];
	v15 =	vadd.f32 v16, v15;
	v12 =	vadd.f32 v12, v14;
	v14 =	vshll.u32 v4, $0x10  }
0x81: {  	v16 =	vld [tilespmem:s1+$0x7D40];
	v6 =	vadd.f32 v7, v6;
	v7 =	vadd.f32 v10, v9;
	v9 =	vshll.u32 v11, $0x10  }
0x82: {  	v10 =	vshll.u32 v5, $0x10;
	v18 =	vld [tilespmem:s1+$0x7D50];
	v14 =	vadd.f32 v14, v15;
	v9 =	vadd.f32 v9, v12  }
0x83: {  	v12 =	vshll.u32 v8, $0x10;
	v15 =	vld [tilespmem:s1+$0x7D60];
	v4 =	vadd.f32 v4, v6;
	v6 =	vadd.f32 v11, v7  }
0x84: {  	v7 =	vadd.f32 v10, v14;
	v9 =	vadd.f32 v12, v9;
	v10 =	vshll.u32 v17, $0x10;
	v11 =	vld [tilespmem:s1+$0x7D70]  }
0x85: {  	v4 =	vadd.f32 v5, v4;
	v5 =	vadd.f32 v8, v6;
	v6 =	vshll.u32 v13, $0x10;
	v8 =	vld [tilespmem:s1+$0x7D80]  }
0x86: {  	v7 =	vadd.f32 v10, v7;
	v9 =	vadd.f32 v6, v9;
	v10 =	vshll.u32 v16, $0x10;
	v12 =	vld [tilespmem:s1+$0x7D90]  }
0x87: {  	v4 =	vadd.f32 v17, v4;
	v5 =	vadd.f32 v13, v5;
	v13 =	vshll.u32 v18, $0x10;
	v6 =	vld [tilespmem:s1+$0x7DA0]  }
0x88: {  	v10 =	vadd.f32 v10, v7;
	v13 =	vadd.f32 v13, v9;
	v14 =	vshll.u32 v15, $0x10;
	v9 =	vld [tilespmem:s1+$0x7DB0]  }
0x89: {  	v4 =	vadd.f32 v16, v4;
	v5 =	vadd.f32 v18, v5;
	v16 =	vshll.u32 v11, $0x10;
	v7 =	vld [tilespmem:s1+$0x7DC0]  }
.Ltmp1:
0x8a: {  	v14 =	vadd.f32 v14, v10;
	v13 =	vadd.f32 v16, v13;
	v16 =	vshll.u32 v8, $0x10;
	v10 =	vld [tilespmem:s1+$0x7DD0];
	(pc) =	sbr.rel @p0 .LBB2_5-.Ltmp1, $4  }
0x8b: {  	v15 =	vadd.f32 v15, v4;
	v17 =	vadd.f32 v11, v5;
	v5 =	vshll.u32 v12, $0x10;
	v4 =	vld [tilespmem:s1+$0x7DE0]  }
0x8c: {  	v14 =	vadd.f32 v16, v14;
	v16 =	vadd.f32 v5, v13;
	v18 =	vshll.u32 v6, $0x10;
	v11 =	vld [tilespmem:s1+$0x7DF0];
	s1 =	sshra.s32 s0, $0x2  }
0x8d: {  	v5 =	vld [tilespmem:s1+$0x7D00];
	v13 =	vadd.f32 v8, v15;
	v12 =	vadd.f32 v12, v17;
	v17 =	vshll.u32 v9, $0x10  }
0x8e: {  	s0 =	sadd.s32 $0x400, s0;
	v8 =	vld [tilespmem:s1+$0x7D10];
	v15 =	vadd.f32 v18, v14;
	v14 =	vadd.f32 v17, v16;
	v16 =	vshll.u32 v7, $0x10  }
0x8f: {  	_ = 	snop  }
0x90: {  	v17 =	vld [tilespmem:s1+$0x7D20];
	v6 =	vadd.f32 v6, v13;
	v13 =	vshll.u32 v10, $0x10;
	v15 =	vadd.f32 v16, v15  }
0x91: {  	v9 =	vadd.f32 v9, v12;
	v12 =	vld [tilespmem:s1+$0x7D30];
	v13 =	vadd.f32 v13, v14;
	v14 =	vshll.u32 v4, $0x10  }
0x92: {  	v16 =	vld [tilespmem:s1+$0x7D40];
	v6 =	vadd.f32 v7, v6;
	v7 =	vshll.u32 v11, $0x10;
	v14 =	vadd.f32 v14, v15  }
0x93: {  	v9 =	vadd.f32 v10, v9;
	v10 =	vshll.u32 v5, $0x10;
	v15 =	vld [tilespmem:s1+$0x7D50];
	v7 =	vadd.f32 v7, v13  }
0x94: {  	v18 =	vld [tilespmem:s1+$0x7D60];
	v13 =	vshll.u32 v8, $0x10;
	v4 =	vadd.f32 v4, v6;
	v6 =	vadd.f32 v10, v14  }
0x95: {  	v9 =	vadd.f32 v11, v9;
	v11 =	vld [tilespmem:s1+$0x7D70];
	v7 =	vadd.f32 v13, v7;
	v10 =	vshll.u32 v17, $0x10  }
0x96: {  	v13 =	vld [tilespmem:s1+$0x7D80];
	v4 =	vadd.f32 v5, v4;
	v5 =	vshll.u32 v12, $0x10;
	v6 =	vadd.f32 v10, v6  }
0x97: {  	v8 =	vadd.f32 v8, v9;
	v9 =	vld [tilespmem:s1+$0x7D90];
	v5 =	vadd.f32 v5, v7;
	v7 =	vshll.u32 v16, $0x10  }
0x98: {  	v14 =	vld [tilespmem:s1+$0x7DA0];
	v4 =	vadd.f32 v17, v4;
	v10 =	vshll.u32 v15, $0x10;
	v6 =	vadd.f32 v7, v6  }
0x99: {  	v7 =	vadd.f32 v12, v8;
	v5 =	vadd.f32 v10, v5;
	v8 =	vshll.u32 v18, $0x10;
	v10 =	vld [tilespmem:s1+$0x7DB0]  }
0x9a: {  	v12 =	vshll.u32 v11, $0x10;
	v4 =	vadd.f32 v16, v4;
	v16 =	vld [tilespmem:s1+$0x7DC0];
	v6 =	vadd.f32 v8, v6  }
0x9b: {  	v7 =	vadd.f32 v15, v7;
	v5 =	vadd.f32 v12, v5;
	v8 =	vshll.u32 v13, $0x10;
	v12 =	vld [tilespmem:s1+$0x7DD0]  }
0x9c: {  	v17 =	vld [tilespmem:s1+$0x7DE0];
	v15 =	vshll.u32 v9, $0x10;
	v4 =	vadd.f32 v18, v4;
	v6 =	vadd.f32 v8, v6  }
0x9d: {  	v7 =	vadd.f32 v11, v7;
	v5 =	vadd.f32 v15, v5;
	v8 =	vshll.u32 v14, $0x10;
	v11 =	vld [tilespmem:s1+$0x7DF0]  }
0x9e: {  	v4 =	vadd.f32 v13, v4;
	v13 =	vshll.u32 v10, $0x10;
	v6 =	vadd.f32 v8, v6  }
0x9f: {  	v7 =	vadd.f32 v9, v7;
	v5 =	vadd.f32 v13, v5;
	v8 =	vshll.u32 v16, $0x10  }
0xa0: {  	v4 =	vadd.f32 v14, v4;
	v9 =	vshll.u32 v12, $0x10;
	v6 =	vadd.f32 v8, v6  }
0xa1: {  	v7 =	vadd.f32 v10, v7;
	v5 =	vadd.f32 v9, v5;
	v8 =	vshll.u32 v17, $0x10  }
0xa2: {  	v4 =	vadd.f32 v16, v4;
	v9 =	vshll.u32 v11, $0x10;
	v6 =	vadd.f32 v8, v6  }
0xa3: {  	p0 =	seq.s32 s29, $0x1F;
	v7 =	vadd.f32 v12, v7;
	v5 =	vadd.f32 v9, v5  }
0xa4: {  	s0 =	smul.u32 @!p0 $0xC80, s29;
	v4 =	vadd.f32 v17, v4;
	[tilespmem:s31+$0xC840] =	vst v6  }
0xa5: {  	v6 =	vadd.f32 v11, v7;
	[tilespmem:s31+$0xC850] =	vst v5  }
0xa6: {  	s0 =	sshra.s32 @!p0 s0, $0x2;
	[tilespmem:s31+$0xC860] =	vst v4  }
0xa7: {  	s9 =	simm.s32 @!p0 $0x6400;
	s1 =	sadd.s32 @!p0 $0x320, s0;
	[tilespmem:s31+$0xC870] =	vst v6;
	s31 =	simm.s32 @!p0 $0x50  }
0xa8: {  	[tilespmem:s9], [sflag:$0x1] =	stream.indirect.gather @!p0 [hbm4b:s3+s31], $0x20, s1, s31, $0xb8;
	[tilespmem:$0xE840] =	vst v63  }
0xa9: {  	s1 =	sadd.s32 @!p0 $0x370, s0;
	s9 =	simm.s32 @!p0 $0x6E00  }
0xaa: {  	[tilespmem:s9], [sflag:$0x1] =	stream.indirect.gather @!p0 [hbm4b:s3+s31], $0x20, s1, s31, $0xb8;
	[tilespmem:$0xE840] =	vst v63  }
0xab: {  	s1 =	sadd.s32 @!p0 $0x3C0, s0;
	s9 =	simm.s32 @!p0 $0x7800  }
0xac: {  	[tilespmem:s9], [sflag:$0x1] =	stream.indirect.gather @!p0 [hbm4b:s3+s31], $0x20, s1, s31, $0xb8;
	[tilespmem:$0xE840] =	vst v63  }
0xad: {  	s1 =	sadd.s32 @!p0 $0x410, s0;
	s9 =	simm.s32 @!p0 $0x8200  }
0xae: {  	[tilespmem:s9], [sflag:$0x1] =	stream.indirect.gather @!p0 [hbm4b:s3+s31], $0x20, s1, s31, $0xb8;
	[tilespmem:$0xE840] =	vst v63  }
0xaf: {  	s0 =	sadd.s32 @!p0 $0x460, s0;
	s1 =	simm.s32 @!p0 $0x8C00  }
0xb0: {  	[tilespmem:s1], [sflag:$0x1] =	stream.indirect.gather @!p0 [hbm4b:s3+s31], $0x20, s0, s31, $0xb8;
	[tilespmem:$0xE840] =	vst v63  }
0xb1: {  	_ =	swait.ge [sflag:s25], $0x3200  }
0xb2: {  	[sflag:s25] =	ssyncset.done $0x0  }
0xb3: {  	s31 =	simm.s32 $0x0;
	[sflag:s25] =	ssyncadd.s32 $0xFFFFCE00  }
0xb4: {  	v4 =	vld [tilespmem:s31+$0x9600]  }
0xb5: {  	v5 =	vld [tilespmem:s31+$0x9610]  }
0xb6: {  	v6 =	vld [tilespmem:s31+$0x9620]  }
0xb7: {  	v7 =	vld [tilespmem:s31+$0x9630]  }
0xb8: {  	v8 =	vld [tilespmem:s31+$0x9640]  }
0xb9: {  	v10 =	vld [tilespmem:s31+$0x9650];
	v9 =	vshll.u32 v4, $0x10  }
0xba: {  	v12 =	vld [tilespmem:s31+$0x9660];
	v11 =	vshll.u32 v5, $0x10;
	v4 =	vadd.f32 v4, v2;
	v5 =	vadd.f32 v5, v3  }
0xbb: {  	v14 =	vld [tilespmem:s31+$0x9670];
	v13 =	vshll.u32 v6, $0x10;
	v9 =	vadd.f32 v9, v0;
	v11 =	vadd.f32 v11, v1  }
0xbc: {  	v16 =	vld [tilespmem:s31+$0x9680];
	v15 =	vshll.u32 v7, $0x10;
	v4 =	vadd.f32 v6, v4;
	v5 =	vadd.f32 v7, v5  }
0xbd: {  	v9 =	vadd.f32 v13, v9;
	v11 =	vadd.f32 v15, v11;
	v15 =	vld [tilespmem:s31+$0x9690]  }
0xbe: {  	v7 =	vshll.u32 v10, $0x10;
	v6 =	vld [tilespmem:s31+$0x96A0];
	v13 =	vshll.u32 v8, $0x10;
	v4 =	vadd.f32 v8, v4  }
0xbf: {  	v17 =	vshll.u32 v12, $0x10;
	v13 =	vadd.f32 v13, v9;
	v11 =	vadd.f32 v7, v11;
	v9 =	vld [tilespmem:s31+$0x96B0]  }
0xc0: {  	v5 =	vadd.f32 v10, v5;
	v8 =	vshll.u32 v14, $0x10;
	v7 =	vld [tilespmem:s31+$0x96C0];
	v12 =	vadd.f32 v12, v4  }
0xc1: {  	v10 =	vld [tilespmem:s31+$0x96D0];
	v13 =	vadd.f32 v17, v13;
	v8 =	vadd.f32 v8, v11  }
0xc2: {  	v14 =	vadd.f32 v14, v5;
	v4 =	vld [tilespmem:s31+$0x96E0];
	v11 =	vshll.u32 v16, $0x10;
	v5 =	vshll.u32 v15, $0x10  }
0xc3: {  	s1 =	simm.s32 $0x100;
	v19 =	vshll.u32 v6, $0x10;
	v17 =	vadd.f32 v11, v13;
	v18 =	vadd.f32 v5, v8;
	v11 =	vld [tilespmem:s31+$0x96F0]  }
0xc4: {  	v5 =	vld [tilespmem:s1+$0x9600];
	v13 =	vadd.f32 v16, v12;
	v12 =	vadd.f32 v15, v14;
	v14 =	vshll.u32 v9, $0x10  }
0xc5: {  	s0 =	simm.s32 $0x800;
	v8 =	vld [tilespmem:s1+$0x9610];
	v16 =	vshll.u32 v7, $0x10;
	v15 =	vadd.f32 v19, v17;
	v14 =	vadd.f32 v14, v18  }
.LBB2_7:
0xc6: {  	p0 =	sne.s32 s0, $0x6000;
	v17 =	vld [tilespmem:s1+$0x9620];
	v6 =	vadd.f32 v6, v13;
	v9 =	vadd.f32 v9, v12;
	v12 =	vshll.u32 v10, $0x10  }
0xc7: {  	v13 =	vld [tilespmem:s1+$0x9630];
	v15 =	vadd.f32 v16, v15;
	v12 =	vadd.f32 v12, v14;
	v14 =	vshll.u32 v4, $0x10  }
0xc8: {  	v16 =	vld [tilespmem:s1+$0x9640];
	v6 =	vadd.f32 v7, v6;
	v7 =	vadd.f32 v10, v9;
	v9 =	vshll.u32 v11, $0x10  }
0xc9: {  	v10 =	vshll.u32 v5, $0x10;
	v18 =	vld [tilespmem:s1+$0x9650];
	v14 =	vadd.f32 v14, v15;
	v9 =	vadd.f32 v9, v12  }
0xca: {  	v12 =	vshll.u32 v8, $0x10;
	v15 =	vld [tilespmem:s1+$0x9660];
	v4 =	vadd.f32 v4, v6;
	v6 =	vadd.f32 v11, v7  }
0xcb: {  	v7 =	vadd.f32 v10, v14;
	v9 =	vadd.f32 v12, v9;
	v10 =	vshll.u32 v17, $0x10;
	v11 =	vld [tilespmem:s1+$0x9670]  }
0xcc: {  	v4 =	vadd.f32 v5, v4;
	v5 =	vadd.f32 v8, v6;
	v6 =	vshll.u32 v13, $0x10;
	v8 =	vld [tilespmem:s1+$0x9680]  }
0xcd: {  	v7 =	vadd.f32 v10, v7;
	v9 =	vadd.f32 v6, v9;
	v10 =	vshll.u32 v16, $0x10;
	v12 =	vld [tilespmem:s1+$0x9690]  }
0xce: {  	v4 =	vadd.f32 v17, v4;
	v5 =	vadd.f32 v13, v5;
	v13 =	vshll.u32 v18, $0x10;
	v6 =	vld [tilespmem:s1+$0x96A0]  }
0xcf: {  	v10 =	vadd.f32 v10, v7;
	v13 =	vadd.f32 v13, v9;
	v14 =	vshll.u32 v15, $0x10;
	v9 =	vld [tilespmem:s1+$0x96B0]  }
0xd0: {  	v4 =	vadd.f32 v16, v4;
	v5 =	vadd.f32 v18, v5;
	v16 =	vshll.u32 v11, $0x10;
	v7 =	vld [tilespmem:s1+$0x96C0]  }
.Ltmp2:
0xd1: {  	v14 =	vadd.f32 v14, v10;
	v13 =	vadd.f32 v16, v13;
	v16 =	vshll.u32 v8, $0x10;
	v10 =	vld [tilespmem:s1+$0x96D0];
	(pc) =	sbr.rel @p0 .LBB2_7-.Ltmp2, $4  }
0xd2: {  	v15 =	vadd.f32 v15, v4;
	v17 =	vadd.f32 v11, v5;
	v5 =	vshll.u32 v12, $0x10;
	v4 =	vld [tilespmem:s1+$0x96E0]  }
0xd3: {  	v14 =	vadd.f32 v16, v14;
	v16 =	vadd.f32 v5, v13;
	v18 =	vshll.u32 v6, $0x10;
	v11 =	vld [tilespmem:s1+$0x96F0];
	s1 =	sshra.s32 s0, $0x2  }
0xd4: {  	v5 =	vld [tilespmem:s1+$0x9600];
	v13 =	vadd.f32 v8, v15;
	v12 =	vadd.f32 v12, v17;
	v17 =	vshll.u32 v9, $0x10  }
0xd5: {  	s0 =	sadd.s32 $0x400, s0;
	v8 =	vld [tilespmem:s1+$0x9610];
	v15 =	vadd.f32 v18, v14;
	v14 =	vadd.f32 v17, v16;
	v16 =	vshll.u32 v7, $0x10  }
0xd6: {  	_ = 	snop  }
0xd7: {  	v17 =	vld [tilespmem:s1+$0x9620];
	v6 =	vadd.f32 v6, v13;
	v13 =	vshll.u32 v10, $0x10;
	v15 =	vadd.f32 v16, v15  }
0xd8: {  	v9 =	vadd.f32 v9, v12;
	v12 =	vld [tilespmem:s1+$0x9630];
	v13 =	vadd.f32 v13, v14;
	v14 =	vshll.u32 v4, $0x10  }
0xd9: {  	v16 =	vld [tilespmem:s1+$0x9640];
	v6 =	vadd.f32 v7, v6;
	v7 =	vshll.u32 v11, $0x10;
	v14 =	vadd.f32 v14, v15  }
0xda: {  	v9 =	vadd.f32 v10, v9;
	v10 =	vshll.u32 v5, $0x10;
	v15 =	vld [tilespmem:s1+$0x9650];
	v7 =	vadd.f32 v7, v13  }
0xdb: {  	v18 =	vld [tilespmem:s1+$0x9660];
	v13 =	vshll.u32 v8, $0x10;
	v4 =	vadd.f32 v4, v6;
	v6 =	vadd.f32 v10, v14  }
0xdc: {  	v9 =	vadd.f32 v11, v9;
	v11 =	vld [tilespmem:s1+$0x9670];
	v7 =	vadd.f32 v13, v7;
	v10 =	vshll.u32 v17, $0x10  }
0xdd: {  	v13 =	vld [tilespmem:s1+$0x9680];
	v4 =	vadd.f32 v5, v4;
	v5 =	vshll.u32 v12, $0x10;
	v6 =	vadd.f32 v10, v6  }
0xde: {  	v8 =	vadd.f32 v8, v9;
	v9 =	vld [tilespmem:s1+$0x9690];
	v5 =	vadd.f32 v5, v7;
	v7 =	vshll.u32 v16, $0x10  }
0xdf: {  	v14 =	vld [tilespmem:s1+$0x96A0];
	v4 =	vadd.f32 v17, v4;
	v10 =	vshll.u32 v15, $0x10;
	v6 =	vadd.f32 v7, v6  }
0xe0: {  	v7 =	vadd.f32 v12, v8;
	v5 =	vadd.f32 v10, v5;
	v8 =	vshll.u32 v18, $0x10;
	v10 =	vld [tilespmem:s1+$0x96B0]  }
0xe1: {  	v12 =	vshll.u32 v11, $0x10;
	v4 =	vadd.f32 v16, v4;
	v16 =	vld [tilespmem:s1+$0x96C0];
	v6 =	vadd.f32 v8, v6  }
0xe2: {  	v7 =	vadd.f32 v15, v7;
	v5 =	vadd.f32 v12, v5;
	v8 =	vshll.u32 v13, $0x10;
	v12 =	vld [tilespmem:s1+$0x96D0]  }
0xe3: {  	v17 =	vld [tilespmem:s1+$0x96E0];
	v15 =	vshll.u32 v9, $0x10;
	v4 =	vadd.f32 v18, v4;
	v6 =	vadd.f32 v8, v6  }
0xe4: {  	v7 =	vadd.f32 v11, v7;
	v5 =	vadd.f32 v15, v5;
	v8 =	vshll.u32 v14, $0x10;
	v11 =	vld [tilespmem:s1+$0x96F0]  }
0xe5: {  	v4 =	vadd.f32 v13, v4;
	v13 =	vshll.u32 v10, $0x10;
	v6 =	vadd.f32 v8, v6  }
0xe6: {  	v7 =	vadd.f32 v9, v7;
	v5 =	vadd.f32 v13, v5;
	v8 =	vshll.u32 v16, $0x10  }
0xe7: {  	v4 =	vadd.f32 v14, v4;
	v9 =	vshll.u32 v12, $0x10;
	v6 =	vadd.f32 v8, v6  }
0xe8: {  	v7 =	vadd.f32 v10, v7;
	v5 =	vadd.f32 v9, v5;
	v8 =	vshll.u32 v17, $0x10  }
0xe9: {  	s0 =	sshll.u32 s30, $0x7;
	v4 =	vadd.f32 v16, v4;
	v9 =	vshll.u32 v11, $0x10;
	v6 =	vadd.f32 v8, v6  }
0xea: {  	s30 =	sand.u32 $0x3FFFFF80, s0;
	v7 =	vadd.f32 v12, v7;
	v5 =	vadd.f32 v9, v5  }
0xeb: {  	v4 =	vadd.f32 v17, v4;
	[tilespmem:s30+$0xC800] =	vst v6  }
0xec: {  	v6 =	vadd.f32 v11, v7;
	[tilespmem:s30+$0xC810] =	vst v5  }
0xed: {  	[tilespmem:s30+$0xC820] =	vst v4  }
0xee: {  	s31 =	simm.s32 $0x0;
	[tilespmem:s30+$0xC830] =	vst v6  }
0xef: {  	v4 =	vld [tilespmem:s31+$0xAF00]  }
0xf0: {  	v5 =	vld [tilespmem:s31+$0xAF10]  }
0xf1: {  	v6 =	vld [tilespmem:s31+$0xAF20]  }
0xf2: {  	v7 =	vld [tilespmem:s31+$0xAF30]  }
0xf3: {  	v8 =	vld [tilespmem:s31+$0xAF40]  }
0xf4: {  	v10 =	vld [tilespmem:s31+$0xAF50];
	v9 =	vshll.u32 v4, $0x10  }
0xf5: {  	v12 =	vld [tilespmem:s31+$0xAF60];
	v11 =	vshll.u32 v5, $0x10;
	v4 =	vadd.f32 v4, v2;
	v5 =	vadd.f32 v5, v3  }
0xf6: {  	v14 =	vld [tilespmem:s31+$0xAF70];
	v13 =	vshll.u32 v6, $0x10;
	v9 =	vadd.f32 v9, v0;
	v11 =	vadd.f32 v11, v1  }
0xf7: {  	v16 =	vld [tilespmem:s31+$0xAF80];
	v15 =	vshll.u32 v7, $0x10;
	v4 =	vadd.f32 v6, v4;
	v5 =	vadd.f32 v7, v5  }
0xf8: {  	v9 =	vadd.f32 v13, v9;
	v11 =	vadd.f32 v15, v11;
	v15 =	vld [tilespmem:s31+$0xAF90]  }
0xf9: {  	v7 =	vshll.u32 v10, $0x10;
	v6 =	vld [tilespmem:s31+$0xAFA0];
	v13 =	vshll.u32 v8, $0x10;
	v4 =	vadd.f32 v8, v4  }
0xfa: {  	v17 =	vshll.u32 v12, $0x10;
	v13 =	vadd.f32 v13, v9;
	v11 =	vadd.f32 v7, v11;
	v9 =	vld [tilespmem:s31+$0xAFB0]  }
0xfb: {  	v5 =	vadd.f32 v10, v5;
	v8 =	vshll.u32 v14, $0x10;
	v7 =	vld [tilespmem:s31+$0xAFC0];
	v12 =	vadd.f32 v12, v4  }
0xfc: {  	v10 =	vld [tilespmem:s31+$0xAFD0];
	v13 =	vadd.f32 v17, v13;
	v8 =	vadd.f32 v8, v11  }
0xfd: {  	v14 =	vadd.f32 v14, v5;
	v4 =	vld [tilespmem:s31+$0xAFE0];
	v11 =	vshll.u32 v16, $0x10;
	v5 =	vshll.u32 v15, $0x10  }
0xfe: {  	s1 =	simm.s32 $0x100;
	v19 =	vshll.u32 v6, $0x10;
	v17 =	vadd.f32 v11, v13;
	v18 =	vadd.f32 v5, v8;
	v11 =	vld [tilespmem:s31+$0xAFF0]  }
0xff: {  	v5 =	vld [tilespmem:s1+$0xAF00];
	v13 =	vadd.f32 v16, v12;
	v12 =	vadd.f32 v15, v14;
	v14 =	vshll.u32 v9, $0x10  }
0x100: {  	s0 =	simm.s32 $0x800;
	v8 =	vld [tilespmem:s1+$0xAF10];
	v16 =	vshll.u32 v7, $0x10;
	v15 =	vadd.f32 v19, v17;
	v14 =	vadd.f32 v14, v18  }
.LBB2_9:
0x101: {  	p0 =	sne.s32 s0, $0x6000;
	v17 =	vld [tilespmem:s1+$0xAF20];
	v6 =	vadd.f32 v6, v13;
	v9 =	vadd.f32 v9, v12;
	v12 =	vshll.u32 v10, $0x10  }
0x102: {  	v13 =	vld [tilespmem:s1+$0xAF30];
	v15 =	vadd.f32 v16, v15;
	v12 =	vadd.f32 v12, v14;
	v14 =	vshll.u32 v4, $0x10  }
0x103: {  	v16 =	vld [tilespmem:s1+$0xAF40];
	v6 =	vadd.f32 v7, v6;
	v7 =	vadd.f32 v10, v9;
	v9 =	vshll.u32 v11, $0x10  }
0x104: {  	v10 =	vshll.u32 v5, $0x10;
	v18 =	vld [tilespmem:s1+$0xAF50];
	v14 =	vadd.f32 v14, v15;
	v9 =	vadd.f32 v9, v12  }
0x105: {  	v12 =	vshll.u32 v8, $0x10;
	v15 =	vld [tilespmem:s1+$0xAF60];
	v4 =	vadd.f32 v4, v6;
	v6 =	vadd.f32 v11, v7  }
0x106: {  	v7 =	vadd.f32 v10, v14;
	v9 =	vadd.f32 v12, v9;
	v10 =	vshll.u32 v17, $0x10;
	v11 =	vld [tilespmem:s1+$0xAF70]  }
0x107: {  	v4 =	vadd.f32 v5, v4;
	v5 =	vadd.f32 v8, v6;
	v6 =	vshll.u32 v13, $0x10;
	v8 =	vld [tilespmem:s1+$0xAF80]  }
0x108: {  	v7 =	vadd.f32 v10, v7;
	v9 =	vadd.f32 v6, v9;
	v10 =	vshll.u32 v16, $0x10;
	v12 =	vld [tilespmem:s1+$0xAF90]  }
0x109: {  	v4 =	vadd.f32 v17, v4;
	v5 =	vadd.f32 v13, v5;
	v13 =	vshll.u32 v18, $0x10;
	v6 =	vld [tilespmem:s1+$0xAFA0]  }
0x10a: {  	v10 =	vadd.f32 v10, v7;
	v13 =	vadd.f32 v13, v9;
	v14 =	vshll.u32 v15, $0x10;
	v9 =	vld [tilespmem:s1+$0xAFB0]  }
0x10b: {  	v4 =	vadd.f32 v16, v4;
	v5 =	vadd.f32 v18, v5;
	v16 =	vshll.u32 v11, $0x10;
	v7 =	vld [tilespmem:s1+$0xAFC0]  }
.Ltmp3:
0x10c: {  	v14 =	vadd.f32 v14, v10;
	v13 =	vadd.f32 v16, v13;
	v16 =	vshll.u32 v8, $0x10;
	v10 =	vld [tilespmem:s1+$0xAFD0];
	(pc) =	sbr.rel @p0 .LBB2_9-.Ltmp3, $4  }
0x10d: {  	v15 =	vadd.f32 v15, v4;
	v17 =	vadd.f32 v11, v5;
	v5 =	vshll.u32 v12, $0x10;
	v4 =	vld [tilespmem:s1+$0xAFE0]  }
0x10e: {  	v14 =	vadd.f32 v16, v14;
	v16 =	vadd.f32 v5, v13;
	v18 =	vshll.u32 v6, $0x10;
	v11 =	vld [tilespmem:s1+$0xAFF0];
	s1 =	sshra.s32 s0, $0x2  }
0x10f: {  	v5 =	vld [tilespmem:s1+$0xAF00];
	v13 =	vadd.f32 v8, v15;
	v12 =	vadd.f32 v12, v17;
	v17 =	vshll.u32 v9, $0x10  }
0x110: {  	s0 =	sadd.s32 $0x400, s0;
	v8 =	vld [tilespmem:s1+$0xAF10];
	v15 =	vadd.f32 v18, v14;
	v14 =	vadd.f32 v17, v16;
	v16 =	vshll.u32 v7, $0x10  }
0x111: {  	_ = 	snop  }
0x112: {  	v17 =	vld [tilespmem:s1+$0xAF20];
	v6 =	vadd.f32 v6, v13;
	v30 =	vshll.u32 v10, $0x10;
	v15 =	vadd.f32 v16, v15  }
0x113: {  	v9 =	vadd.f32 v9, v12;
	v31 =	vld [tilespmem:s1+$0xAF30];
	v13 =	vadd.f32 v30, v14;
	v32 =	vshll.u32 v4, $0x10  }
0x114: {  	v33 =	vld [tilespmem:s1+$0xAF40];
	v6 =	vadd.f32 v7, v6;
	v34 =	vshll.u32 v11, $0x10;
	v14 =	vadd.f32 v32, v15  }
0x115: {  	v36 =	vld [tilespmem:s1+$0xAF50];
	v9 =	vadd.f32 v10, v9;
	v35 =	vshll.u32 v5, $0x10;
	v7 =	vadd.f32 v34, v13  }
0x116: {  	v18 =	vld [tilespmem:s1+$0xAF60];
	v37 =	vshll.u32 v8, $0x10;
	v4 =	vadd.f32 v4, v6;
	v38 =	vadd.f32 v35, v14  }
0x117: {  	v40 =	vld [tilespmem:s1+$0xAF70];
	v9 =	vadd.f32 v11, v9;
	v7 =	vadd.f32 v37, v7;
	v39 =	vshll.u32 v17, $0x10  }
0x118: {  	v41 =	vld [tilespmem:s1+$0xAF80];
	v4 =	vadd.f32 v5, v4;
	v5 =	vshll.u32 v31, $0x10;
	v6 =	vadd.f32 v39, v38  }
0x119: {  	v44 =	vld [tilespmem:s1+$0xAF90];
	v43 =	vshll.u32 v33, $0x10;
	v42 =	vadd.f32 v8, v9;
	v5 =	vadd.f32 v5, v7  }
0x11a: {  	v46 =	vld [tilespmem:s1+$0xAFA0];
	v45 =	vshll.u32 v36, $0x10;
	v4 =	vadd.f32 v17, v4;
	v6 =	vadd.f32 v43, v6  }
0x11b: {  	v49 =	vld [tilespmem:s1+$0xAFB0];
	v48 =	vshll.u32 v18, $0x10;
	v47 =	vadd.f32 v31, v42;
	v5 =	vadd.f32 v45, v5  }
0x11c: {  	v51 =	vld [tilespmem:s1+$0xAFC0];
	v50 =	vshll.u32 v40, $0x10;
	v4 =	vadd.f32 v33, v4;
	v6 =	vadd.f32 v48, v6  }
0x11d: {  	v53 =	vld [tilespmem:s1+$0xAFD0];
	v52 =	vshll.u32 v41, $0x10;
	v7 =	vadd.f32 v36, v47;
	v5 =	vadd.f32 v50, v5  }
0x11e: {  	v55 =	vld [tilespmem:s1+$0xAFE0];
	v54 =	vshll.u32 v44, $0x10;
	v4 =	vadd.f32 v18, v4;
	v6 =	vadd.f32 v52, v6  }
0x11f: {  	v57 =	vld [tilespmem:s1+$0xAFF0];
	v56 =	vshll.u32 v46, $0x10;
	v7 =	vadd.f32 v40, v7;
	v5 =	vadd.f32 v54, v5  }
0x120: {  	v58 =	vshll.u32 v49, $0x10;
	v4 =	vadd.f32 v41, v4;
	v6 =	vadd.f32 v56, v6  }
0x121: {  	v59 =	vshll.u32 v51, $0x10;
	v7 =	vadd.f32 v44, v7;
	v5 =	vadd.f32 v58, v5  }
0x122: {  	v60 =	vshll.u32 v53, $0x10;
	v4 =	vadd.f32 v46, v4;
	v6 =	vadd.f32 v59, v6  }
0x123: {  	s29 =	sadd.s32 $0x1, s29;
	v61 =	vshll.u32 v55, $0x10;
	v7 =	vadd.f32 v49, v7;
	v5 =	vadd.f32 v60, v5  }
0x124: {  	p0 =	sne.s32 s29, $0x20;
	v62 =	vshll.u32 v57, $0x10;
	v4 =	vadd.f32 v51, v4;
	v6 =	vadd.f32 v61, v6  }
.Ltmp4:
0x125: {  	v7 =	vadd.f32 v53, v7;
	v5 =	vadd.f32 v62, v5;
	(pc) =	sbr.rel @p0 .LBB2_2-.Ltmp4, $4  }
0x126: {  	v4 =	vadd.f32 v55, v4;
	[tilespmem:s30+$0xC840] =	vst v6  }
0x127: {  	v63 =	vadd.f32 v57, v7;
	[tilespmem:s30+$0xC850] =	vst v5  }
0x128: {  	[tilespmem:s30+$0xC860] =	vst v4  }
0x129: {  	[tilespmem:s30+$0xC870] =	vst v63  }
0x12a: {  	s28 =	sadd.s32 $0x1, s28  }
0x12b: {  	p0 =	sne.s32 s28, s7  }
.Ltmp5:
0x12c: {  	_ = 	snop;
	(pc) =	sbr.rel @p0 .LBB2_1-.Ltmp5, $4  }
0x12d: {  	[hbm4b:s6+s2] =	stream.linear.scatter [tilespmem:s26], [sflag:$0x3], $0x2000, $0x38;
	[tilespmem:$0xE840] =	vst v63  }
0x12e: {  	_ =	swait.ge [sflag:s8], $0x2000  }
0x12f: {  	[sflag:s8] =	ssyncset.done $0x0  }
0x130: {  	[sflag:s8] =	ssyncadd.s32 $0xFFFFE000  }
0x131: {  	_ =	sfence.sel $0x180000  }
0x132: {  	[bflag:$0x0] =	sbarrier.arrive $0xFFFF  }
0x133: {  	_ =	strace $0x90000047  }
0x134: {  	s0 =	stileid.u32;
	[bflag:$0x2] =	sbarrier.arrive $0xFFFF  }
0x135: {  	p0 =	sne.s32 s0, $0x0;
	s0 =	rddreg [dreg:$0x2]  }
0x136: {  	s0 =	sadd.s32 @!p0 $0x100000, s0  }
0x137: {  	[sflag:s0] =	ssyncadd.tile.s32 @!p0 $0x1;
	_ =	shalt  }
.Lfunc_end2:
_tile_overlayer_lowered:
.L_overlay_start_2:
0x138: {  	(tag) =	ssettag $0x2  }
0x139: {  	s0 =	rddreg [dreg:$0x0];
	s2 =	stileid.u32  }
0x13a: {  	s1 =	rddreg [dreg:$0x1];
	p0 =	sne.s32 s2, $0x0  }
0x13b: {  	s3 =	rddreg [dreg:$0x2];
	[bflag:$0x3] =	sbarrier.arrive $0xFFFF;
	s2 =	simm.s32 @!p0 $0x1C03  }
0x13c: {  	[timem:s3], [sflag:s2] =	dma.local @!p0 [hbm:s0], s1  }
0x13d: {  	s0 =	simm.s32 @!p0 $0x3  }
0x13e: {  	_ =	swait.ge @!p0 [sflag:s0], s1  }
0x13f: {  	s1 =	ssub.s32 @!p0 $0x0, s1;
	[sflag:s0] =	ssyncset.done @!p0 $0x0  }
0x140: {  	[sflag:s0] =	ssyncadd.s32 @!p0 s1  }
0x141: {  	[bflag:$0x3] =	sbarrier.arrive $0xFFFF  }
0x142: {  	_ =	shalt  }

</sc_bundles>
